<compile_context>
chip_gen: v7x
topology: tpu7x:2x2x1
jax: 0.10.2.dev20260603
libtpu: 0.0.44.dev20260713+nightly
codegen_flags: <defaults>
</compile_context>

<pallas_src>
import jax
import jax.numpy as jnp
from jax import lax
from jax.experimental import pallas as pl
from jax.experimental.pallas import tpu as pltpu
from jax.experimental.pallas import tpu_sc as plsc

_INFO = plsc.get_sparse_core_info()
_NC, _NS = _INFO.num_cores, _INFO.num_subcores
_NW = _NC * _NS

_ROWS = 4096
_SEQ = 50
_RPW = _ROWS // _NW
_EMB = 128

_NB = 8
_NGROUPS = _RPW // _NB


def _embed_body(table_hbm, idx_hbm, out_hbm, idx_v, *bufs_and_sems):
    rows = bufs_and_sems[:_NB]
    gsem, ssem = bufs_and_sems[_NB], bufs_and_sems[_NB + 1]
    wid = lax.axis_index("s") * _NC + lax.axis_index("c")
    base = wid * _RPW
    pltpu.sync_copy(idx_hbm.at[pl.ds(base, _RPW)], idx_v)

    for b in range(_NB):
        pltpu.async_copy(table_hbm.at[idx_v.at[b]], rows[b], gsem.at[b])

    def group(g, carry):
        j0 = g * _NB
        for b in range(_NB):
            pltpu.make_async_copy(
                table_hbm.at[idx_v.at[j0 + b]], rows[b], gsem.at[b]
            ).wait()
            pltpu.async_copy(rows[b], out_hbm.at[base + j0 + b], ssem.at[b])
        for b in range(_NB):
            pltpu.make_async_copy(
                rows[b], out_hbm.at[base + j0 + b], ssem.at[b]
            ).wait()
            jn = jnp.minimum(j0 + _NB + b, _RPW - 1)

            @pl.when(g + 1 < _NGROUPS)
            def _():
                pltpu.async_copy(table_hbm.at[idx_v.at[jn]], rows[b],
                                 gsem.at[b])

        return carry

    lax.fori_loop(0, _NGROUPS, group, 0)


@jax.jit
def _embed(input_seq, table):
    mesh = plsc.VectorSubcoreMesh(core_axis_name="c", subcore_axis_name="s")
    fn = pl.kernel(
        _embed_body,
        mesh=mesh,
        out_type=jax.ShapeDtypeStruct((_ROWS, _SEQ, _EMB), jnp.float32),
        scratch_types=[
            pltpu.VMEM((_RPW, _SEQ), jnp.int32),
        ]
        + [pltpu.VMEM((_SEQ, _EMB), jnp.float32) for _ in range(_NB)]
        + [
            pltpu.SemaphoreType.DMA((_NB,)),
            pltpu.SemaphoreType.DMA((_NB,)),
        ],
    )
    return fn(table, input_seq)


def kernel(input_seq, table):
    return _embed(input_seq, table)

# --- scband reference (transcript-rebuilt; emitter-appended) ---
"""Pipeline reference for scband-embedding-46136538693714 (READ-ONLY COPY).

The authoritative reference and input builder live on the scoring server;
editing this copy changes nothing except your own understanding.
"""

import jax, jax.numpy as jnp
import numpy as np

VOCAB = 100000
EMB = 128

def setup_inputs(seed: int = 0) -> dict:
    key = jax.random.key(seed)
    k1, k2 = jax.random.split(key)
    input_seq = jax.random.randint(k1, (4096, 50), 0, VOCAB, dtype=jnp.int64 if jax.config.jax_enable_x64 else jnp.int32)
    table = jax.random.normal(k2, (VOCAB, EMB), dtype=jnp.float32)
    return {"input_seq": input_seq, "table": table}

def reference(input_seq, table):
    # Embedding lookup: gather rows from table
    out = jnp.take(table, input_seq, axis=0)
    # Dropout with p=0.0 (eval / no-op) -> identity
    return out

if __name__ == "__main__":
    import jax
    _d = setup_inputs()
    print(jax.jit(kernel)(*tuple(_d.values())))

</pallas_src>

<mosaic_0001>
#map = affine_map<(d0, d1) -> (0, 0)>
#map1 = affine_map<(d0, d1) -> (0, 0, 0)>
module attributes {stable_mosaic.version = 14 : i64} {
  func.func @_embed_body(%arg0: i32, %arg1: i32, %arg2: memref<100000x128xf32, #tpu.memory_space<hbm>>, %arg3: memref<4096x50xi32, #tpu.memory_space<hbm>>, %arg4: memref<4096x50x128xf32, #tpu.memory_space<hbm>>, %arg5: memref<128x50xi32, #tpu.memory_space<vmem>>, %arg6: memref<50x128xf32, #tpu.memory_space<vmem>>, %arg7: memref<50x128xf32, #tpu.memory_space<vmem>>, %arg8: memref<50x128xf32, #tpu.memory_space<vmem>>, %arg9: memref<50x128xf32, #tpu.memory_space<vmem>>, %arg10: memref<50x128xf32, #tpu.memory_space<vmem>>, %arg11: memref<50x128xf32, #tpu.memory_space<vmem>>, %arg12: memref<50x128xf32, #tpu.memory_space<vmem>>, %arg13: memref<50x128xf32, #tpu.memory_space<vmem>>, %arg14: memref<8x!tpu.dma_semaphore, #tpu.memory_space<semaphore_mem>>, %arg15: memref<8x!tpu.dma_semaphore, #tpu.memory_space<semaphore_mem>>) attributes {dimension_semantics = [#tpu.dimension_semantics<core_parallel>, #tpu.dimension_semantics<subcore_parallel>], iteration_bounds = array<i64: 2, 16>, scalar_prefetch = 0 : i64, scratch_operands = 11 : i64, tpu.core_type = #tpu.core_type<sc_vector_subcore>, window_params = [{transform_indices = #map}, {transform_indices = #map}, {transform_indices = #map1}]} {
    %mul3A = arith.constant 2 : i32
    %mul3A_0 = arith.muli %arg1, %mul3A : i32
    %add3A = arith.addi %mul3A_0, %arg0 : i32
    %mul3A_1 = arith.constant 128 : i32
    %mul3A_2 = arith.muli %add3A, %mul3A_1 : i32
    "tpu.region"() ({
      %run_scoped3A = tpu.sem_alloc : memref<!tpu.dma_semaphore, #tpu.memory_space<semaphore_mem>>
      %dma_start3A_87 = arith.constant 0 : i32
      %dma_start3A_88 = tpu.memref_slice %arg3[%mul3A_2, %dma_start3A_87] : memref<4096x50xi32, #tpu.memory_space<hbm>> -> memref<128x50xi32, #tpu.memory_space<hbm>>
      %dma_start3A_89 = arith.constant 0 : i32
      %dma_start3A_90 = tpu.memref_slice %arg3[%mul3A_2, %dma_start3A_89] : memref<4096x50xi32, #tpu.memory_space<hbm>> -> memref<128x50xi32, #tpu.memory_space<hbm>>
      tpu.enqueue_dma source(%dma_start3A_90 : memref<128x50xi32, #tpu.memory_space<hbm>>) target(%arg5 : memref<128x50xi32, #tpu.memory_space<vmem>>) target_semaphore(%run_scoped3A : memref<!tpu.dma_semaphore, #tpu.memory_space<semaphore_mem>>)
      %dma_wait3A = arith.constant 0 : i32
      %dma_wait3A_91 = tpu.memref_slice %arg3[%mul3A_2, %dma_wait3A] : memref<4096x50xi32, #tpu.memory_space<hbm>> -> memref<128x50xi32, #tpu.memory_space<hbm>>
      %dma_wait3A_92 = arith.constant 0 : i32
      %dma_wait3A_93 = tpu.memref_slice %arg3[%mul3A_2, %dma_wait3A_92] : memref<4096x50xi32, #tpu.memory_space<hbm>> -> memref<128x50xi32, #tpu.memory_space<hbm>>
      tpu.wait_dma2 semaphore(%run_scoped3A : memref<!tpu.dma_semaphore, #tpu.memory_space<semaphore_mem>>) src(%dma_wait3A_93 : memref<128x50xi32, #tpu.memory_space<hbm>>) dst(%arg5 : memref<128x50xi32, #tpu.memory_space<vmem>>)
      tpu.yield
    }) : () -> ()
    %dma_start3A = arith.constant 0 : i32
    %dma_start3A_3 = arith.constant 0 : i32
    %dma_start3A_4 = arith.constant 0 : i32
    %dma_start3A_5 = tpu.memref_slice %arg5[%dma_start3A, %dma_start3A_4] : memref<128x50xi32, #tpu.memory_space<vmem>> -> memref<1x50xi32, #tpu.memory_space<vmem>>
    %dma_start3A_6 = tpu.memref_squeeze %dma_start3A_5 : memref<1x50xi32, #tpu.memory_space<vmem>> -> memref<50xi32, #tpu.memory_space<vmem>>
    %dma_start3A_7 = arith.constant 0 : i32
    %dma_start3A_8 = arith.constant 0 : i32
    %dma_start3A_9 = tpu.memref_slice %arg2[%dma_start3A_7, %dma_start3A_8] : memref<100000x128xf32, #tpu.memory_space<hbm>> -> memref<100000x128xf32, #tpu.memory_space<hbm>>
    %dma_start3A_10 = tpu.memref_slice %arg14[%dma_start3A_3] : memref<8x!tpu.dma_semaphore, #tpu.memory_space<semaphore_mem>> -> memref<1x!tpu.dma_semaphore, #tpu.memory_space<semaphore_mem>>
    %dma_start3A_11 = tpu.memref_squeeze %dma_start3A_10 : memref<1x!tpu.dma_semaphore, #tpu.memory_space<semaphore_mem>> -> memref<!tpu.dma_semaphore, #tpu.memory_space<semaphore_mem>>
    tpu.enqueue_indirect_dma source(%dma_start3A_9 : memref<100000x128xf32, #tpu.memory_space<hbm>>) target(%arg6 : memref<50x128xf32, #tpu.memory_space<vmem>>) offsets(%dma_start3A_6 : memref<50xi32, #tpu.memory_space<vmem>>) semaphore(%dma_start3A_11 : memref<!tpu.dma_semaphore, #tpu.memory_space<semaphore_mem>>)
    %dma_start3A_12 = arith.constant 1 : i32
    %dma_start3A_13 = arith.constant 1 : i32
    %dma_start3A_14 = arith.constant 0 : i32
    %dma_start3A_15 = tpu.memref_slice %arg5[%dma_start3A_12, %dma_start3A_14] : memref<128x50xi32, #tpu.memory_space<vmem>> -> memref<1x50xi32, #tpu.memory_space<vmem>>
    %dma_start3A_16 = tpu.memref_squeeze %dma_start3A_15 : memref<1x50xi32, #tpu.memory_space<vmem>> -> memref<50xi32, #tpu.memory_space<vmem>>
    %dma_start3A_17 = arith.constant 0 : i32
    %dma_start3A_18 = arith.constant 0 : i32
    %dma_start3A_19 = tpu.memref_slice %arg2[%dma_start3A_17, %dma_start3A_18] : memref<100000x128xf32, #tpu.memory_space<hbm>> -> memref<100000x128xf32, #tpu.memory_space<hbm>>
    %dma_start3A_20 = tpu.memref_slice %arg14[%dma_start3A_13] : memref<8x!tpu.dma_semaphore, #tpu.memory_space<semaphore_mem>> -> memref<1x!tpu.dma_semaphore, #tpu.memory_space<semaphore_mem>>
    %dma_start3A_21 = tpu.memref_squeeze %dma_start3A_20 : memref<1x!tpu.dma_semaphore, #tpu.memory_space<semaphore_mem>> -> memref<!tpu.dma_semaphore, #tpu.memory_space<semaphore_mem>>
    tpu.enqueue_indirect_dma source(%dma_start3A_19 : memref<100000x128xf32, #tpu.memory_space<hbm>>) target(%arg7 : memref<50x128xf32, #tpu.memory_space<vmem>>) offsets(%dma_start3A_16 : memref<50xi32, #tpu.memory_space<vmem>>) semaphore(%dma_start3A_21 : memref<!tpu.dma_semaphore, #tpu.memory_space<semaphore_mem>>)
    %dma_start3A_22 = arith.constant 2 : i32
    %dma_start3A_23 = arith.constant 2 : i32
    %dma_start3A_24 = arith.constant 0 : i32
    %dma_start3A_25 = tpu.memref_slice %arg5[%dma_start3A_22, %dma_start3A_24] : memref<128x50xi32, #tpu.memory_space<vmem>> -> memref<1x50xi32, #tpu.memory_space<vmem>>
    %dma_start3A_26 = tpu.memref_squeeze %dma_start3A_25 : memref<1x50xi32, #tpu.memory_space<vmem>> -> memref<50xi32, #tpu.memory_space<vmem>>
    %dma_start3A_27 = arith.constant 0 : i32
    %dma_start3A_28 = arith.constant 0 : i32
    %dma_start3A_29 = tpu.memref_slice %arg2[%dma_start3A_27, %dma_start3A_28] : memref<100000x128xf32, #tpu.memory_space<hbm>> -> memref<100000x128xf32, #tpu.memory_space<hbm>>
    %dma_start3A_30 = tpu.memref_slice %arg14[%dma_start3A_23] : memref<8x!tpu.dma_semaphore, #tpu.memory_space<semaphore_mem>> -> memref<1x!tpu.dma_semaphore, #tpu.memory_space<semaphore_mem>>
    %dma_start3A_31 = tpu.memref_squeeze %dma_start3A_30 : memref<1x!tpu.dma_semaphore, #tpu.memory_space<semaphore_mem>> -> memref<!tpu.dma_semaphore, #tpu.memory_space<semaphore_mem>>
    tpu.enqueue_indirect_dma source(%dma_start3A_29 : memref<100000x128xf32, #tpu.memory_space<hbm>>) target(%arg8 : memref<50x128xf32, #tpu.memory_space<vmem>>) offsets(%dma_start3A_26 : memref<50xi32, #tpu.memory_space<vmem>>) semaphore(%dma_start3A_31 : memref<!tpu.dma_semaphore, #tpu.memory_space<semaphore_mem>>)
    %dma_start3A_32 = arith.constant 3 : i32
    %dma_start3A_33 = arith.constant 3 : i32
    %dma_start3A_34 = arith.constant 0 : i32
    %dma_start3A_35 = tpu.memref_slice %arg5[%dma_start3A_32, %dma_start3A_34] : memref<128x50xi32, #tpu.memory_space<vmem>> -> memref<1x50xi32, #tpu.memory_space<vmem>>
    %dma_start3A_36 = tpu.memref_squeeze %dma_start3A_35 : memref<1x50xi32, #tpu.memory_space<vmem>> -> memref<50xi32, #tpu.memory_space<vmem>>
    %dma_start3A_37 = arith.constant 0 : i32
    %dma_start3A_38 = arith.constant 0 : i32
    %dma_start3A_39 = tpu.memref_slice %arg2[%dma_start3A_37, %dma_start3A_38] : memref<100000x128xf32, #tpu.memory_space<hbm>> -> memref<100000x128xf32, #tpu.memory_space<hbm>>
    %dma_start3A_40 = tpu.memref_slice %arg14[%dma_start3A_33] : memref<8x!tpu.dma_semaphore, #tpu.memory_space<semaphore_mem>> -> memref<1x!tpu.dma_semaphore, #tpu.memory_space<semaphore_mem>>
    %dma_start3A_41 = tpu.memref_squeeze %dma_start3A_40 : memref<1x!tpu.dma_semaphore, #tpu.memory_space<semaphore_mem>> -> memref<!tpu.dma_semaphore, #tpu.memory_space<semaphore_mem>>
    tpu.enqueue_indirect_dma source(%dma_start3A_39 : memref<100000x128xf32, #tpu.memory_space<hbm>>) target(%arg9 : memref<50x128xf32, #tpu.memory_space<vmem>>) offsets(%dma_start3A_36 : memref<50xi32, #tpu.memory_space<vmem>>) semaphore(%dma_start3A_41 : memref<!tpu.dma_semaphore, #tpu.memory_space<semaphore_mem>>)
    %dma_start3A_42 = arith.constant 4 : i32
    %dma_start3A_43 = arith.constant 4 : i32
    %dma_start3A_44 = arith.constant 0 : i32
    %dma_start3A_45 = tpu.memref_slice %arg5[%dma_start3A_42, %dma_start3A_44] : memref<128x50xi32, #tpu.memory_space<vmem>> -> memref<1x50xi32, #tpu.memory_space<vmem>>
    %dma_start3A_46 = tpu.memref_squeeze %dma_start3A_45 : memref<1x50xi32, #tpu.memory_space<vmem>> -> memref<50xi32, #tpu.memory_space<vmem>>
    %dma_start3A_47 = arith.constant 0 : i32
    %dma_start3A_48 = arith.constant 0 : i32
    %dma_start3A_49 = tpu.memref_slice %arg2[%dma_start3A_47, %dma_start3A_48] : memref<100000x128xf32, #tpu.memory_space<hbm>> -> memref<100000x128xf32, #tpu.memory_space<hbm>>
    %dma_start3A_50 = tpu.memref_slice %arg14[%dma_start3A_43] : memref<8x!tpu.dma_semaphore, #tpu.memory_space<semaphore_mem>> -> memref<1x!tpu.dma_semaphore, #tpu.memory_space<semaphore_mem>>
    %dma_start3A_51 = tpu.memref_squeeze %dma_start3A_50 : memref<1x!tpu.dma_semaphore, #tpu.memory_space<semaphore_mem>> -> memref<!tpu.dma_semaphore, #tpu.memory_space<semaphore_mem>>
    tpu.enqueue_indirect_dma source(%dma_start3A_49 : memref<100000x128xf32, #tpu.memory_space<hbm>>) target(%arg10 : memref<50x128xf32, #tpu.memory_space<vmem>>) offsets(%dma_start3A_46 : memref<50xi32, #tpu.memory_space<vmem>>) semaphore(%dma_start3A_51 : memref<!tpu.dma_semaphore, #tpu.memory_space<semaphore_mem>>)
    %dma_start3A_52 = arith.constant 5 : i32
    %dma_start3A_53 = arith.constant 5 : i32
    %dma_start3A_54 = arith.constant 0 : i32
    %dma_start3A_55 = tpu.memref_slice %arg5[%dma_start3A_52, %dma_start3A_54] : memref<128x50xi32, #tpu.memory_space<vmem>> -> memref<1x50xi32, #tpu.memory_space<vmem>>
    %dma_start3A_56 = tpu.memref_squeeze %dma_start3A_55 : memref<1x50xi32, #tpu.memory_space<vmem>> -> memref<50xi32, #tpu.memory_space<vmem>>
    %dma_start3A_57 = arith.constant 0 : i32
    %dma_start3A_58 = arith.constant 0 : i32
    %dma_start3A_59 = tpu.memref_slice %arg2[%dma_start3A_57, %dma_start3A_58] : memref<100000x128xf32, #tpu.memory_space<hbm>> -> memref<100000x128xf32, #tpu.memory_space<hbm>>
    %dma_start3A_60 = tpu.memref_slice %arg14[%dma_start3A_53] : memref<8x!tpu.dma_semaphore, #tpu.memory_space<semaphore_mem>> -> memref<1x!tpu.dma_semaphore, #tpu.memory_space<semaphore_mem>>
    %dma_start3A_61 = tpu.memref_squeeze %dma_start3A_60 : memref<1x!tpu.dma_semaphore, #tpu.memory_space<semaphore_mem>> -> memref<!tpu.dma_semaphore, #tpu.memory_space<semaphore_mem>>
    tpu.enqueue_indirect_dma source(%dma_start3A_59 : memref<100000x128xf32, #tpu.memory_space<hbm>>) target(%arg11 : memref<50x128xf32, #tpu.memory_space<vmem>>) offsets(%dma_start3A_56 : memref<50xi32, #tpu.memory_space<vmem>>) semaphore(%dma_start3A_61 : memref<!tpu.dma_semaphore, #tpu.memory_space<semaphore_mem>>)
    %dma_start3A_62 = arith.constant 6 : i32
    %dma_start3A_63 = arith.constant 6 : i32
    %dma_start3A_64 = arith.constant 0 : i32
    %dma_start3A_65 = tpu.memref_slice %arg5[%dma_start3A_62, %dma_start3A_64] : memref<128x50xi32, #tpu.memory_space<vmem>> -> memref<1x50xi32, #tpu.memory_space<vmem>>
    %dma_start3A_66 = tpu.memref_squeeze %dma_start3A_65 : memref<1x50xi32, #tpu.memory_space<vmem>> -> memref<50xi32, #tpu.memory_space<vmem>>
    %dma_start3A_67 = arith.constant 0 : i32
    %dma_start3A_68 = arith.constant 0 : i32
    %dma_start3A_69 = tpu.memref_slice %arg2[%dma_start3A_67, %dma_start3A_68] : memref<100000x128xf32, #tpu.memory_space<hbm>> -> memref<100000x128xf32, #tpu.memory_space<hbm>>
    %dma_start3A_70 = tpu.memref_slice %arg14[%dma_start3A_63] : memref<8x!tpu.dma_semaphore, #tpu.memory_space<semaphore_mem>> -> memref<1x!tpu.dma_semaphore, #tpu.memory_space<semaphore_mem>>
    %dma_start3A_71 = tpu.memref_squeeze %dma_start3A_70 : memref<1x!tpu.dma_semaphore, #tpu.memory_space<semaphore_mem>> -> memref<!tpu.dma_semaphore, #tpu.memory_space<semaphore_mem>>
    tpu.enqueue_indirect_dma source(%dma_start3A_69 : memref<100000x128xf32, #tpu.memory_space<hbm>>) target(%arg12 : memref<50x128xf32, #tpu.memory_space<vmem>>) offsets(%dma_start3A_66 : memref<50xi32, #tpu.memory_space<vmem>>) semaphore(%dma_start3A_71 : memref<!tpu.dma_semaphore, #tpu.memory_space<semaphore_mem>>)
    %dma_start3A_72 = arith.constant 7 : i32
    %dma_start3A_73 = arith.constant 7 : i32
    %dma_start3A_74 = arith.constant 0 : i32
    %dma_start3A_75 = tpu.memref_slice %arg5[%dma_start3A_72, %dma_start3A_74] : memref<128x50xi32, #tpu.memory_space<vmem>> -> memref<1x50xi32, #tpu.memory_space<vmem>>
    %dma_start3A_76 = tpu.memref_squeeze %dma_start3A_75 : memref<1x50xi32, #tpu.memory_space<vmem>> -> memref<50xi32, #tpu.memory_space<vmem>>
    %dma_start3A_77 = arith.constant 0 : i32
    %dma_start3A_78 = arith.constant 0 : i32
    %dma_start3A_79 = tpu.memref_slice %arg2[%dma_start3A_77, %dma_start3A_78] : memref<100000x128xf32, #tpu.memory_space<hbm>> -> memref<100000x128xf32, #tpu.memory_space<hbm>>
    %dma_start3A_80 = tpu.memref_slice %arg14[%dma_start3A_73] : memref<8x!tpu.dma_semaphore, #tpu.memory_space<semaphore_mem>> -> memref<1x!tpu.dma_semaphore, #tpu.memory_space<semaphore_mem>>
    %dma_start3A_81 = tpu.memref_squeeze %dma_start3A_80 : memref<1x!tpu.dma_semaphore, #tpu.memory_space<semaphore_mem>> -> memref<!tpu.dma_semaphore, #tpu.memory_space<semaphore_mem>>
    tpu.enqueue_indirect_dma source(%dma_start3A_79 : memref<100000x128xf32, #tpu.memory_space<hbm>>) target(%arg13 : memref<50x128xf32, #tpu.memory_space<vmem>>) offsets(%dma_start3A_76 : memref<50xi32, #tpu.memory_space<vmem>>) semaphore(%dma_start3A_81 : memref<!tpu.dma_semaphore, #tpu.memory_space<semaphore_mem>>)
    %scan3A = arith.constant 0 : i32
    %scan3A_82 = arith.constant 0 : i32
    %scan3A_83 = arith.constant 16 : i32
    %scan3A_84 = arith.addi %scan3A_82, %scan3A_83 : i32
    %scan3A_85 = arith.constant 1 : i32
    scf.for %scan3A_87 = %scan3A_82 to %scan3A_84 step %scan3A_85  : i32 {
      %mul3A_88 = arith.constant 8 : i32
      %mul3A_89 = arith.muli %scan3A_87, %mul3A_88 : i32
      %add3A_90 = arith.constant 0 : i32
      %add3A_91 = arith.addi %mul3A_89, %add3A_90 : i32
      %dma_wait3A = arith.constant 0 : i32
      %dma_wait3A_92 = arith.constant 0 : i32
      %dma_wait3A_93 = tpu.memref_slice %arg5[%add3A_91, %dma_wait3A_92] : memref<128x50xi32, #tpu.memory_space<vmem>> -> memref<1x50xi32, #tpu.memory_space<vmem>>
      %dma_wait3A_94 = tpu.memref_squeeze %dma_wait3A_93 : memref<1x50xi32, #tpu.memory_space<vmem>> -> memref<50xi32, #tpu.memory_space<vmem>>
      %dma_wait3A_95 = arith.constant 0 : i32
      %dma_wait3A_96 = arith.constant 0 : i32
      %dma_wait3A_97 = tpu.memref_slice %arg2[%dma_wait3A_95, %dma_wait3A_96] : memref<100000x128xf32, #tpu.memory_space<hbm>> -> memref<100000x128xf32, #tpu.memory_space<hbm>>
      %dma_wait3A_98 = tpu.memref_slice %arg14[%dma_wait3A] : memref<8x!tpu.dma_semaphore, #tpu.memory_space<semaphore_mem>> -> memref<1x!tpu.dma_semaphore, #tpu.memory_space<semaphore_mem>>
      %dma_wait3A_99 = tpu.memref_squeeze %dma_wait3A_98 : memref<1x!tpu.dma_semaphore, #tpu.memory_space<semaphore_mem>> -> memref<!tpu.dma_semaphore, #tpu.memory_space<semaphore_mem>>
      tpu.wait_indirect_dma semaphore(%dma_wait3A_99 : memref<!tpu.dma_semaphore, #tpu.memory_space<semaphore_mem>>) src(%dma_wait3A_97 : memref<100000x128xf32, #tpu.memory_space<hbm>>) dst(%arg6 : memref<50x128xf32, #tpu.memory_space<vmem>>)
      %add3A_100 = arith.addi %mul3A_2, %mul3A_89 : i32
      %add3A_101 = arith.constant 0 : i32
      %add3A_102 = arith.addi %add3A_100, %add3A_101 : i32
      %dma_start3A_103 = arith.constant 0 : i32
      %dma_start3A_104 = arith.constant 0 : i32
      %dma_start3A_105 = arith.constant 0 : i32
      %dma_start3A_106 = tpu.memref_slice %arg4[%add3A_102, %dma_start3A_104, %dma_start3A_105] : memref<4096x50x128xf32, #tpu.memory_space<hbm>> -> memref<1x50x128xf32, #tpu.memory_space<hbm>>
      %dma_start3A_107 = tpu.memref_squeeze %dma_start3A_106 : memref<1x50x128xf32, #tpu.memory_space<hbm>> -> memref<50x128xf32, #tpu.memory_space<hbm>>
      %dma_start3A_108 = tpu.memref_slice %arg15[%dma_start3A_103] : memref<8x!tpu.dma_semaphore, #tpu.memory_space<semaphore_mem>> -> memref<1x!tpu.dma_semaphore, #tpu.memory_space<semaphore_mem>>
      %dma_start3A_109 = tpu.memref_squeeze %dma_start3A_108 : memref<1x!tpu.dma_semaphore, #tpu.memory_space<semaphore_mem>> -> memref<!tpu.dma_semaphore, #tpu.memory_space<semaphore_mem>>
      %dma_start3A_110 = arith.constant 0 : i32
      %dma_start3A_111 = arith.constant 0 : i32
      %dma_start3A_112 = tpu.memref_slice %arg4[%add3A_102, %dma_start3A_110, %dma_start3A_111] : memref<4096x50x128xf32, #tpu.memory_space<hbm>> -> memref<1x50x128xf32, #tpu.memory_space<hbm>>
      %dma_start3A_113 = tpu.memref_squeeze %dma_start3A_112 : memref<1x50x128xf32, #tpu.memory_space<hbm>> -> memref<50x128xf32, #tpu.memory_space<hbm>>
      tpu.enqueue_dma source(%arg6 : memref<50x128xf32, #tpu.memory_space<vmem>>) target(%dma_start3A_113 : memref<50x128xf32, #tpu.memory_space<hbm>>) target_semaphore(%dma_start3A_109 : memref<!tpu.dma_semaphore, #tpu.memory_space<semaphore_mem>>)
      %add3A_114 = arith.constant 1 : i32
      %add3A_115 = arith.addi %mul3A_89, %add3A_114 : i32
      %dma_wait3A_116 = arith.constant 1 : i32
      %dma_wait3A_117 = arith.constant 0 : i32
      %dma_wait3A_118 = tpu.memref_slice %arg5[%add3A_115, %dma_wait3A_117] : memref<128x50xi32, #tpu.memory_space<vmem>> -> memref<1x50xi32, #tpu.memory_space<vmem>>
      %dma_wait3A_119 = tpu.memref_squeeze %dma_wait3A_118 : memref<1x50xi32, #tpu.memory_space<vmem>> -> memref<50xi32, #tpu.memory_space<vmem>>
      %dma_wait3A_120 = arith.constant 0 : i32
      %dma_wait3A_121 = arith.constant 0 : i32
      %dma_wait3A_122 = tpu.memref_slice %arg2[%dma_wait3A_120, %dma_wait3A_121] : memref<100000x128xf32, #tpu.memory_space<hbm>> -> memref<100000x128xf32, #tpu.memory_space<hbm>>
      %dma_wait3A_123 = tpu.memref_slice %arg14[%dma_wait3A_116] : memref<8x!tpu.dma_semaphore, #tpu.memory_space<semaphore_mem>> -> memref<1x!tpu.dma_semaphore, #tpu.memory_space<semaphore_mem>>
      %dma_wait3A_124 = tpu.memref_squeeze %dma_wait3A_123 : memref<1x!tpu.dma_semaphore, #tpu.memory_space<semaphore_mem>> -> memref<!tpu.dma_semaphore, #tpu.memory_space<semaphore_mem>>
      tpu.wait_indirect_dma semaphore(%dma_wait3A_124 : memref<!tpu.dma_semaphore, #tpu.memory_space<semaphore_mem>>) src(%dma_wait3A_122 : memref<100000x128xf32, #tpu.memory_space<hbm>>) dst(%arg7 : memref<50x128xf32, #tpu.memory_space<vmem>>)
      %add3A_125 = arith.addi %mul3A_2, %mul3A_89 : i32
      %add3A_126 = arith.constant 1 : i32
      %add3A_127 = arith.addi %add3A_125, %add3A_126 : i32
      %dma_start3A_128 = arith.constant 1 : i32
      %dma_start3A_129 = arith.constant 0 : i32
      %dma_start3A_130 = arith.constant 0 : i32
      %dma_start3A_131 = tpu.memref_slice %arg4[%add3A_127, %dma_start3A_129, %dma_start3A_130] : memref<4096x50x128xf32, #tpu.memory_space<hbm>> -> memref<1x50x128xf32, #tpu.memory_space<hbm>>
      %dma_start3A_132 = tpu.memref_squeeze %dma_start3A_131 : memref<1x50x128xf32, #tpu.memory_space<hbm>> -> memref<50x128xf32, #tpu.memory_space<hbm>>
      %dma_start3A_133 = tpu.memref_slice %arg15[%dma_start3A_128] : memref<8x!tpu.dma_semaphore, #tpu.memory_space<semaphore_mem>> -> memref<1x!tpu.dma_semaphore, #tpu.memory_space<semaphore_mem>>
      %dma_start3A_134 = tpu.memref_squeeze %dma_start3A_133 : memref<1x!tpu.dma_semaphore, #tpu.memory_space<semaphore_mem>> -> memref<!tpu.dma_semaphore, #tpu.memory_space<semaphore_mem>>
      %dma_start3A_135 = arith.constant 0 : i32
      %dma_start3A_136 = arith.constant 0 : i32
      %dma_start3A_137 = tpu.memref_slice %arg4[%add3A_127, %dma_start3A_135, %dma_start3A_136] : memref<4096x50x128xf32, #tpu.memory_space<hbm>> -> memref<1x50x128xf32, #tpu.memory_space<hbm>>
      %dma_start3A_138 = tpu.memref_squeeze %dma_start3A_137 : memref<1x50x128xf32, #tpu.memory_space<hbm>> -> memref<50x128xf32, #tpu.memory_space<hbm>>
      tpu.enqueue_dma source(%arg7 : memref<50x128xf32, #tpu.memory_space<vmem>>) target(%dma_start3A_138 : memref<50x128xf32, #tpu.memory_space<hbm>>) target_semaphore(%dma_start3A_134 : memref<!tpu.dma_semaphore, #tpu.memory_space<semaphore_mem>>)
      %add3A_139 = arith.constant 2 : i32
      %add3A_140 = arith.addi %mul3A_89, %add3A_139 : i32
      %dma_wait3A_141 = arith.constant 2 : i32
      %dma_wait3A_142 = arith.constant 0 : i32
      %dma_wait3A_143 = tpu.memref_slice %arg5[%add3A_140, %dma_wait3A_142] : memref<128x50xi32, #tpu.memory_space<vmem>> -> memref<1x50xi32, #tpu.memory_space<vmem>>
      %dma_wait3A_144 = tpu.memref_squeeze %dma_wait3A_143 : memref<1x50xi32, #tpu.memory_space<vmem>> -> memref<50xi32, #tpu.memory_space<vmem>>
      %dma_wait3A_145 = arith.constant 0 : i32
      %dma_wait3A_146 = arith.constant 0 : i32
      %dma_wait3A_147 = tpu.memref_slice %arg2[%dma_wait3A_145, %dma_wait3A_146] : memref<100000x128xf32, #tpu.memory_space<hbm>> -> memref<100000x128xf32, #tpu.memory_space<hbm>>
      %dma_wait3A_148 = tpu.memref_slice %arg14[%dma_wait3A_141] : memref<8x!tpu.dma_semaphore, #tpu.memory_space<semaphore_mem>> -> memref<1x!tpu.dma_semaphore, #tpu.memory_space<semaphore_mem>>
      %dma_wait3A_149 = tpu.memref_squeeze %dma_wait3A_148 : memref<1x!tpu.dma_semaphore, #tpu.memory_space<semaphore_mem>> -> memref<!tpu.dma_semaphore, #tpu.memory_space<semaphore_mem>>
      tpu.wait_indirect_dma semaphore(%dma_wait3A_149 : memref<!tpu.dma_semaphore, #tpu.memory_space<semaphore_mem>>) src(%dma_wait3A_147 : memref<100000x128xf32, #tpu.memory_space<hbm>>) dst(%arg8 : memref<50x128xf32, #tpu.memory_space<vmem>>)
      %add3A_150 = arith.addi %mul3A_2, %mul3A_89 : i32
      %add3A_151 = arith.constant 2 : i32
      %add3A_152 = arith.addi %add3A_150, %add3A_151 : i32
      %dma_start3A_153 = arith.constant 2 : i32
      %dma_start3A_154 = arith.constant 0 : i32
      %dma_start3A_155 = arith.constant 0 : i32
      %dma_start3A_156 = tpu.memref_slice %arg4[%add3A_152, %dma_start3A_154, %dma_start3A_155] : memref<4096x50x128xf32, #tpu.memory_space<hbm>> -> memref<1x50x128xf32, #tpu.memory_space<hbm>>
      %dma_start3A_157 = tpu.memref_squeeze %dma_start3A_156 : memref<1x50x128xf32, #tpu.memory_space<hbm>> -> memref<50x128xf32, #tpu.memory_space<hbm>>
      %dma_start3A_158 = tpu.memref_slice %arg15[%dma_start3A_153] : memref<8x!tpu.dma_semaphore, #tpu.memory_space<semaphore_mem>> -> memref<1x!tpu.dma_semaphore, #tpu.memory_space<semaphore_mem>>
      %dma_start3A_159 = tpu.memref_squeeze %dma_start3A_158 : memref<1x!tpu.dma_semaphore, #tpu.memory_space<semaphore_mem>> -> memref<!tpu.dma_semaphore, #tpu.memory_space<semaphore_mem>>
      %dma_start3A_160 = arith.constant 0 : i32
      %dma_start3A_161 = arith.constant 0 : i32
      %dma_start3A_162 = tpu.memref_slice %arg4[%add3A_152, %dma_start3A_160, %dma_start3A_161] : memref<4096x50x128xf32, #tpu.memory_space<hbm>> -> memref<1x50x128xf32, #tpu.memory_space<hbm>>
      %dma_start3A_163 = tpu.memref_squeeze %dma_start3A_162 : memref<1x50x128xf32, #tpu.memory_space<hbm>> -> memref<50x128xf32, #tpu.memory_space<hbm>>
      tpu.enqueue_dma source(%arg8 : memref<50x128xf32, #tpu.memory_space<vmem>>) target(%dma_start3A_163 : memref<50x128xf32, #tpu.memory_space<hbm>>) target_semaphore(%dma_start3A_159 : memref<!tpu.dma_semaphore, #tpu.memory_space<semaphore_mem>>)
      %add3A_164 = arith.constant 3 : i32
      %add3A_165 = arith.addi %mul3A_89, %add3A_164 : i32
      %dma_wait3A_166 = arith.constant 3 : i32
      %dma_wait3A_167 = arith.constant 0 : i32
      %dma_wait3A_168 = tpu.memref_slice %arg5[%add3A_165, %dma_wait3A_167] : memref<128x50xi32, #tpu.memory_space<vmem>> -> memref<1x50xi32, #tpu.memory_space<vmem>>
      %dma_wait3A_169 = tpu.memref_squeeze %dma_wait3A_168 : memref<1x50xi32, #tpu.memory_space<vmem>> -> memref<50xi32, #tpu.memory_space<vmem>>
      %dma_wait3A_170 = arith.constant 0 : i32
      %dma_wait3A_171 = arith.constant 0 : i32
      %dma_wait3A_172 = tpu.memref_slice %arg2[%dma_wait3A_170, %dma_wait3A_171] : memref<100000x128xf32, #tpu.memory_space<hbm>> -> memref<100000x128xf32, #tpu.memory_space<hbm>>
      %dma_wait3A_173 = tpu.memref_slice %arg14[%dma_wait3A_166] : memref<8x!tpu.dma_semaphore, #tpu.memory_space<semaphore_mem>> -> memref<1x!tpu.dma_semaphore, #tpu.memory_space<semaphore_mem>>
      %dma_wait3A_174 = tpu.memref_squeeze %dma_wait3A_173 : memref<1x!tpu.dma_semaphore, #tpu.memory_space<semaphore_mem>> -> memref<!tpu.dma_semaphore, #tpu.memory_space<semaphore_mem>>
      tpu.wait_indirect_dma semaphore(%dma_wait3A_174 : memref<!tpu.dma_semaphore, #tpu.memory_space<semaphore_mem>>) src(%dma_wait3A_172 : memref<100000x128xf32, #tpu.memory_space<hbm>>) dst(%arg9 : memref<50x128xf32, #tpu.memory_space<vmem>>)
      %add3A_175 = arith.addi %mul3A_2, %mul3A_89 : i32
      %add3A_176 = arith.constant 3 : i32
      %add3A_177 = arith.addi %add3A_175, %add3A_176 : i32
      %dma_start3A_178 = arith.constant 3 : i32
      %dma_start3A_179 = arith.constant 0 : i32
      %dma_start3A_180 = arith.constant 0 : i32
      %dma_start3A_181 = tpu.memref_slice %arg4[%add3A_177, %dma_start3A_179, %dma_start3A_180] : memref<4096x50x128xf32, #tpu.memory_space<hbm>> -> memref<1x50x128xf32, #tpu.memory_space<hbm>>
      %dma_start3A_182 = tpu.memref_squeeze %dma_start3A_181 : memref<1x50x128xf32, #tpu.memory_space<hbm>> -> memref<50x128xf32, #tpu.memory_space<hbm>>
      %dma_start3A_183 = tpu.memref_slice %arg15[%dma_start3A_178] : memref<8x!tpu.dma_semaphore, #tpu.memory_space<semaphore_mem>> -> memref<1x!tpu.dma_semaphore, #tpu.memory_space<semaphore_mem>>
      %dma_start3A_184 = tpu.memref_squeeze %dma_start3A_183 : memref<1x!tpu.dma_semaphore, #tpu.memory_space<semaphore_mem>> -> memref<!tpu.dma_semaphore, #tpu.memory_space<semaphore_mem>>
      %dma_start3A_185 = arith.constant 0 : i32
      %dma_start3A_186 = arith.constant 0 : i32
      %dma_start3A_187 = tpu.memref_slice %arg4[%add3A_177, %dma_start3A_185, %dma_start3A_186] : memref<4096x50x128xf32, #tpu.memory_space<hbm>> -> memref<1x50x128xf32, #tpu.memory_space<hbm>>
      %dma_start3A_188 = tpu.memref_squeeze %dma_start3A_187 : memref<1x50x128xf32, #tpu.memory_space<hbm>> -> memref<50x128xf32, #tpu.memory_space<hbm>>
      tpu.enqueue_dma source(%arg9 : memref<50x128xf32, #tpu.memory_space<vmem>>) target(%dma_start3A_188 : memref<50x128xf32, #tpu.memory_space<hbm>>) target_semaphore(%dma_start3A_184 : memref<!tpu.dma_semaphore, #tpu.memory_space<semaphore_mem>>)
      %add3A_189 = arith.constant 4 : i32
      %add3A_190 = arith.addi %mul3A_89, %add3A_189 : i32
      %dma_wait3A_191 = arith.constant 4 : i32
      %dma_wait3A_192 = arith.constant 0 : i32
      %dma_wait3A_193 = tpu.memref_slice %arg5[%add3A_190, %dma_wait3A_192] : memref<128x50xi32, #tpu.memory_space<vmem>> -> memref<1x50xi32, #tpu.memory_space<vmem>>
      %dma_wait3A_194 = tpu.memref_squeeze %dma_wait3A_193 : memref<1x50xi32, #tpu.memory_space<vmem>> -> memref<50xi32, #tpu.memory_space<vmem>>
      %dma_wait3A_195 = arith.constant 0 : i32
      %dma_wait3A_196 = arith.constant 0 : i32
      %dma_wait3A_197 = tpu.memref_slice %arg2[%dma_wait3A_195, %dma_wait3A_196] : memref<100000x128xf32, #tpu.memory_space<hbm>> -> memref<100000x128xf32, #tpu.memory_space<hbm>>
      %dma_wait3A_198 = tpu.memref_slice %arg14[%dma_wait3A_191] : memref<8x!tpu.dma_semaphore, #tpu.memory_space<semaphore_mem>> -> memref<1x!tpu.dma_semaphore, #tpu.memory_space<semaphore_mem>>
      %dma_wait3A_199 = tpu.memref_squeeze %dma_wait3A_198 : memref<1x!tpu.dma_semaphore, #tpu.memory_space<semaphore_mem>> -> memref<!tpu.dma_semaphore, #tpu.memory_space<semaphore_mem>>
      tpu.wait_indirect_dma semaphore(%dma_wait3A_199 : memref<!tpu.dma_semaphore, #tpu.memory_space<semaphore_mem>>) src(%dma_wait3A_197 : memref<100000x128xf32, #tpu.memory_space<hbm>>) dst(%arg10 : memref<50x128xf32, #tpu.memory_space<vmem>>)
      %add3A_200 = arith.addi %mul3A_2, %mul3A_89 : i32
      %add3A_201 = arith.constant 4 : i32
      %add3A_202 = arith.addi %add3A_200, %add3A_201 : i32
      %dma_start3A_203 = arith.constant 4 : i32
      %dma_start3A_204 = arith.constant 0 : i32
      %dma_start3A_205 = arith.constant 0 : i32
      %dma_start3A_206 = tpu.memref_slice %arg4[%add3A_202, %dma_start3A_204, %dma_start3A_205] : memref<4096x50x128xf32, #tpu.memory_space<hbm>> -> memref<1x50x128xf32, #tpu.memory_space<hbm>>
      %dma_start3A_207 = tpu.memref_squeeze %dma_start3A_206 : memref<1x50x128xf32, #tpu.memory_space<hbm>> -> memref<50x128xf32, #tpu.memory_space<hbm>>
      %dma_start3A_208 = tpu.memref_slice %arg15[%dma_start3A_203] : memref<8x!tpu.dma_semaphore, #tpu.memory_space<semaphore_mem>> -> memref<1x!tpu.dma_semaphore, #tpu.memory_space<semaphore_mem>>
      %dma_start3A_209 = tpu.memref_squeeze %dma_start3A_208 : memref<1x!tpu.dma_semaphore, #tpu.memory_space<semaphore_mem>> -> memref<!tpu.dma_semaphore, #tpu.memory_space<semaphore_mem>>
      %dma_start3A_210 = arith.constant 0 : i32
      %dma_start3A_211 = arith.constant 0 : i32
      %dma_start3A_212 = tpu.memref_slice %arg4[%add3A_202, %dma_start3A_210, %dma_start3A_211] : memref<4096x50x128xf32, #tpu.memory_space<hbm>> -> memref<1x50x128xf32, #tpu.memory_space<hbm>>
      %dma_start3A_213 = tpu.memref_squeeze %dma_start3A_212 : memref<1x50x128xf32, #tpu.memory_space<hbm>> -> memref<50x128xf32, #tpu.memory_space<hbm>>
      tpu.enqueue_dma source(%arg10 : memref<50x128xf32, #tpu.memory_space<vmem>>) target(%dma_start3A_213 : memref<50x128xf32, #tpu.memory_space<hbm>>) target_semaphore(%dma_start3A_209 : memref<!tpu.dma_semaphore, #tpu.memory_space<semaphore_mem>>)
      %add3A_214 = arith.constant 5 : i32
      %add3A_215 = arith.addi %mul3A_89, %add3A_214 : i32
      %dma_wait3A_216 = arith.constant 5 : i32
      %dma_wait3A_217 = arith.constant 0 : i32
      %dma_wait3A_218 = tpu.memref_slice %arg5[%add3A_215, %dma_wait3A_217] : memref<128x50xi32, #tpu.memory_space<vmem>> -> memref<1x50xi32, #tpu.memory_space<vmem>>
      %dma_wait3A_219 = tpu.memref_squeeze %dma_wait3A_218 : memref<1x50xi32, #tpu.memory_space<vmem>> -> memref<50xi32, #tpu.memory_space<vmem>>
      %dma_wait3A_220 = arith.constant 0 : i32
      %dma_wait3A_221 = arith.constant 0 : i32
      %dma_wait3A_222 = tpu.memref_slice %arg2[%dma_wait3A_220, %dma_wait3A_221] : memref<100000x128xf32, #tpu.memory_space<hbm>> -> memref<100000x128xf32, #tpu.memory_space<hbm>>
      %dma_wait3A_223 = tpu.memref_slice %arg14[%dma_wait3A_216] : memref<8x!tpu.dma_semaphore, #tpu.memory_space<semaphore_mem>> -> memref<1x!tpu.dma_semaphore, #tpu.memory_space<semaphore_mem>>
      %dma_wait3A_224 = tpu.memref_squeeze %dma_wait3A_223 : memref<1x!tpu.dma_semaphore, #tpu.memory_space<semaphore_mem>> -> memref<!tpu.dma_semaphore, #tpu.memory_space<semaphore_mem>>
      tpu.wait_indirect_dma semaphore(%dma_wait3A_224 : memref<!tpu.dma_semaphore, #tpu.memory_space<semaphore_mem>>) src(%dma_wait3A_222 : memref<100000x128xf32, #tpu.memory_space<hbm>>) dst(%arg11 : memref<50x128xf32, #tpu.memory_space<vmem>>)
      %add3A_225 = arith.addi %mul3A_2, %mul3A_89 : i32
      %add3A_226 = arith.constant 5 : i32
      %add3A_227 = arith.addi %add3A_225, %add3A_226 : i32
      %dma_start3A_228 = arith.constant 5 : i32
      %dma_start3A_229 = arith.constant 0 : i32
      %dma_start3A_230 = arith.constant 0 : i32
      %dma_start3A_231 = tpu.memref_slice %arg4[%add3A_227, %dma_start3A_229, %dma_start3A_230] : memref<4096x50x128xf32, #tpu.memory_space<hbm>> -> memref<1x50x128xf32, #tpu.memory_space<hbm>>
      %dma_start3A_232 = tpu.memref_squeeze %dma_start3A_231 : memref<1x50x128xf32, #tpu.memory_space<hbm>> -> memref<50x128xf32, #tpu.memory_space<hbm>>
      %dma_start3A_233 = tpu.memref_slice %arg15[%dma_start3A_228] : memref<8x!tpu.dma_semaphore, #tpu.memory_space<semaphore_mem>> -> memref<1x!tpu.dma_semaphore, #tpu.memory_space<semaphore_mem>>
      %dma_start3A_234 = tpu.memref_squeeze %dma_start3A_233 : memref<1x!tpu.dma_semaphore, #tpu.memory_space<semaphore_mem>> -> memref<!tpu.dma_semaphore, #tpu.memory_space<semaphore_mem>>
      %dma_start3A_235 = arith.constant 0 : i32
      %dma_start3A_236 = arith.constant 0 : i32
      %dma_start3A_237 = tpu.memref_slice %arg4[%add3A_227, %dma_start3A_235, %dma_start3A_236] : memref<4096x50x128xf32, #tpu.memory_space<hbm>> -> memref<1x50x128xf32, #tpu.memory_space<hbm>>
      %dma_start3A_238 = tpu.memref_squeeze %dma_start3A_237 : memref<1x50x128xf32, #tpu.memory_space<hbm>> -> memref<50x128xf32, #tpu.memory_space<hbm>>
      tpu.enqueue_dma source(%arg11 : memref<50x128xf32, #tpu.memory_space<vmem>>) target(%dma_start3A_238 : memref<50x128xf32, #tpu.memory_space<hbm>>) target_semaphore(%dma_start3A_234 : memref<!tpu.dma_semaphore, #tpu.memory_space<semaphore_mem>>)
      %add3A_239 = arith.constant 6 : i32
      %add3A_240 = arith.addi %mul3A_89, %add3A_239 : i32
      %dma_wait3A_241 = arith.constant 6 : i32
      %dma_wait3A_242 = arith.constant 0 : i32
      %dma_wait3A_243 = tpu.memref_slice %arg5[%add3A_240, %dma_wait3A_242] : memref<128x50xi32, #tpu.memory_space<vmem>> -> memref<1x50xi32, #tpu.memory_space<vmem>>
      %dma_wait3A_244 = tpu.memref_squeeze %dma_wait3A_243 : memref<1x50xi32, #tpu.memory_space<vmem>> -> memref<50xi32, #tpu.memory_space<vmem>>
      %dma_wait3A_245 = arith.constant 0 : i32
      %dma_wait3A_246 = arith.constant 0 : i32
      %dma_wait3A_247 = tpu.memref_slice %arg2[%dma_wait3A_245, %dma_wait3A_246] : memref<100000x128xf32, #tpu.memory_space<hbm>> -> memref<100000x128xf32, #tpu.memory_space<hbm>>
      %dma_wait3A_248 = tpu.memref_slice %arg14[%dma_wait3A_241] : memref<8x!tpu.dma_semaphore, #tpu.memory_space<semaphore_mem>> -> memref<1x!tpu.dma_semaphore, #tpu.memory_space<semaphore_mem>>
      %dma_wait3A_249 = tpu.memref_squeeze %dma_wait3A_248 : memref<1x!tpu.dma_semaphore, #tpu.memory_space<semaphore_mem>> -> memref<!tpu.dma_semaphore, #tpu.memory_space<semaphore_mem>>
      tpu.wait_indirect_dma semaphore(%dma_wait3A_249 : memref<!tpu.dma_semaphore, #tpu.memory_space<semaphore_mem>>) src(%dma_wait3A_247 : memref<100000x128xf32, #tpu.memory_space<hbm>>) dst(%arg12 : memref<50x128xf32, #tpu.memory_space<vmem>>)
      %add3A_250 = arith.addi %mul3A_2, %mul3A_89 : i32
      %add3A_251 = arith.constant 6 : i32
      %add3A_252 = arith.addi %add3A_250, %add3A_251 : i32
      %dma_start3A_253 = arith.constant 6 : i32
      %dma_start3A_254 = arith.constant 0 : i32
      %dma_start3A_255 = arith.constant 0 : i32
      %dma_start3A_256 = tpu.memref_slice %arg4[%add3A_252, %dma_start3A_254, %dma_start3A_255] : memref<4096x50x128xf32, #tpu.memory_space<hbm>> -> memref<1x50x128xf32, #tpu.memory_space<hbm>>
      %dma_start3A_257 = tpu.memref_squeeze %dma_start3A_256 : memref<1x50x128xf32, #tpu.memory_space<hbm>> -> memref<50x128xf32, #tpu.memory_space<hbm>>
      %dma_start3A_258 = tpu.memref_slice %arg15[%dma_start3A_253] : memref<8x!tpu.dma_semaphore, #tpu.memory_space<semaphore_mem>> -> memref<1x!tpu.dma_semaphore, #tpu.memory_space<semaphore_mem>>
      %dma_start3A_259 = tpu.memref_squeeze %dma_start3A_258 : memref<1x!tpu.dma_semaphore, #tpu.memory_space<semaphore_mem>> -> memref<!tpu.dma_semaphore, #tpu.memory_space<semaphore_mem>>
      %dma_start3A_260 = arith.constant 0 : i32
      %dma_start3A_261 = arith.constant 0 : i32
      %dma_start3A_262 = tpu.memref_slice %arg4[%add3A_252, %dma_start3A_260, %dma_start3A_261] : memref<4096x50x128xf32, #tpu.memory_space<hbm>> -> memref<1x50x128xf32, #tpu.memory_space<hbm>>
      %dma_start3A_263 = tpu.memref_squeeze %dma_start3A_262 : memref<1x50x128xf32, #tpu.memory_space<hbm>> -> memref<50x128xf32, #tpu.memory_space<hbm>>
      tpu.enqueue_dma source(%arg12 : memref<50x128xf32, #tpu.memory_space<vmem>>) target(%dma_start3A_263 : memref<50x128xf32, #tpu.memory_space<hbm>>) target_semaphore(%dma_start3A_259 : memref<!tpu.dma_semaphore, #tpu.memory_space<semaphore_mem>>)
      %add3A_264 = arith.constant 7 : i32
      %add3A_265 = arith.addi %mul3A_89, %add3A_264 : i32
      %dma_wait3A_266 = arith.constant 7 : i32
      %dma_wait3A_267 = arith.constant 0 : i32
      %dma_wait3A_268 = tpu.memref_slice %arg5[%add3A_265, %dma_wait3A_267] : memref<128x50xi32, #tpu.memory_space<vmem>> -> memref<1x50xi32, #tpu.memory_space<vmem>>
      %dma_wait3A_269 = tpu.memref_squeeze %dma_wait3A_268 : memref<1x50xi32, #tpu.memory_space<vmem>> -> memref<50xi32, #tpu.memory_space<vmem>>
      %dma_wait3A_270 = arith.constant 0 : i32
      %dma_wait3A_271 = arith.constant 0 : i32
      %dma_wait3A_272 = tpu.memref_slice %arg2[%dma_wait3A_270, %dma_wait3A_271] : memref<100000x128xf32, #tpu.memory_space<hbm>> -> memref<100000x128xf32, #tpu.memory_space<hbm>>
      %dma_wait3A_273 = tpu.memref_slice %arg14[%dma_wait3A_266] : memref<8x!tpu.dma_semaphore, #tpu.memory_space<semaphore_mem>> -> memref<1x!tpu.dma_semaphore, #tpu.memory_space<semaphore_mem>>
      %dma_wait3A_274 = tpu.memref_squeeze %dma_wait3A_273 : memref<1x!tpu.dma_semaphore, #tpu.memory_space<semaphore_mem>> -> memref<!tpu.dma_semaphore, #tpu.memory_space<semaphore_mem>>
      tpu.wait_indirect_dma semaphore(%dma_wait3A_274 : memref<!tpu.dma_semaphore, #tpu.memory_space<semaphore_mem>>) src(%dma_wait3A_272 : memref<100000x128xf32, #tpu.memory_space<hbm>>) dst(%arg13 : memref<50x128xf32, #tpu.memory_space<vmem>>)
      %add3A_275 = arith.addi %mul3A_2, %mul3A_89 : i32
      %add3A_276 = arith.constant 7 : i32
      %add3A_277 = arith.addi %add3A_275, %add3A_276 : i32
      %dma_start3A_278 = arith.constant 7 : i32
      %dma_start3A_279 = arith.constant 0 : i32
      %dma_start3A_280 = arith.constant 0 : i32
      %dma_start3A_281 = tpu.memref_slice %arg4[%add3A_277, %dma_start3A_279, %dma_start3A_280] : memref<4096x50x128xf32, #tpu.memory_space<hbm>> -> memref<1x50x128xf32, #tpu.memory_space<hbm>>
      %dma_start3A_282 = tpu.memref_squeeze %dma_start3A_281 : memref<1x50x128xf32, #tpu.memory_space<hbm>> -> memref<50x128xf32, #tpu.memory_space<hbm>>
      %dma_start3A_283 = tpu.memref_slice %arg15[%dma_start3A_278] : memref<8x!tpu.dma_semaphore, #tpu.memory_space<semaphore_mem>> -> memref<1x!tpu.dma_semaphore, #tpu.memory_space<semaphore_mem>>
      %dma_start3A_284 = tpu.memref_squeeze %dma_start3A_283 : memref<1x!tpu.dma_semaphore, #tpu.memory_space<semaphore_mem>> -> memref<!tpu.dma_semaphore, #tpu.memory_space<semaphore_mem>>
      %dma_start3A_285 = arith.constant 0 : i32
      %dma_start3A_286 = arith.constant 0 : i32
      %dma_start3A_287 = tpu.memref_slice %arg4[%add3A_277, %dma_start3A_285, %dma_start3A_286] : memref<4096x50x128xf32, #tpu.memory_space<hbm>> -> memref<1x50x128xf32, #tpu.memory_space<hbm>>
      %dma_start3A_288 = tpu.memref_squeeze %dma_start3A_287 : memref<1x50x128xf32, #tpu.memory_space<hbm>> -> memref<50x128xf32, #tpu.memory_space<hbm>>
      tpu.enqueue_dma source(%arg13 : memref<50x128xf32, #tpu.memory_space<vmem>>) target(%dma_start3A_288 : memref<50x128xf32, #tpu.memory_space<hbm>>) target_semaphore(%dma_start3A_284 : memref<!tpu.dma_semaphore, #tpu.memory_space<semaphore_mem>>)
      %add3A_289 = arith.addi %mul3A_2, %mul3A_89 : i32
      %add3A_290 = arith.constant 0 : i32
      %add3A_291 = arith.addi %add3A_289, %add3A_290 : i32
      %dma_wait3A_292 = arith.constant 0 : i32
      %dma_wait3A_293 = arith.constant 0 : i32
      %dma_wait3A_294 = arith.constant 0 : i32
      %dma_wait3A_295 = tpu.memref_slice %arg4[%add3A_291, %dma_wait3A_293, %dma_wait3A_294] : memref<4096x50x128xf32, #tpu.memory_space<hbm>> -> memref<1x50x128xf32, #tpu.memory_space<hbm>>
      %dma_wait3A_296 = tpu.memref_squeeze %dma_wait3A_295 : memref<1x50x128xf32, #tpu.memory_space<hbm>> -> memref<50x128xf32, #tpu.memory_space<hbm>>
      %dma_wait3A_297 = tpu.memref_slice %arg15[%dma_wait3A_292] : memref<8x!tpu.dma_semaphore, #tpu.memory_space<semaphore_mem>> -> memref<1x!tpu.dma_semaphore, #tpu.memory_space<semaphore_mem>>
      %dma_wait3A_298 = tpu.memref_squeeze %dma_wait3A_297 : memref<1x!tpu.dma_semaphore, #tpu.memory_space<semaphore_mem>> -> memref<!tpu.dma_semaphore, #tpu.memory_space<semaphore_mem>>
      %dma_wait3A_299 = arith.constant 0 : i32
      %dma_wait3A_300 = arith.constant 0 : i32
      %dma_wait3A_301 = tpu.memref_slice %arg4[%add3A_291, %dma_wait3A_299, %dma_wait3A_300] : memref<4096x50x128xf32, #tpu.memory_space<hbm>> -> memref<1x50x128xf32, #tpu.memory_space<hbm>>
      %dma_wait3A_302 = tpu.memref_squeeze %dma_wait3A_301 : memref<1x50x128xf32, #tpu.memory_space<hbm>> -> memref<50x128xf32, #tpu.memory_space<hbm>>
      tpu.wait_dma2 semaphore(%dma_wait3A_298 : memref<!tpu.dma_semaphore, #tpu.memory_space<semaphore_mem>>) src(%arg6 : memref<50x128xf32, #tpu.memory_space<vmem>>) dst(%dma_wait3A_302 : memref<50x128xf32, #tpu.memory_space<hbm>>)
      %add3A_303 = arith.constant 8 : i32
      %add3A_304 = arith.addi %mul3A_89, %add3A_303 : i32
      %add3A_305 = arith.constant 0 : i32
      %add3A_306 = arith.addi %add3A_304, %add3A_305 : i32
      %min3A = arith.constant 127 : i32
      %min3A_307 = arith.minsi %add3A_306, %min3A : i32
      %add3A_308 = arith.constant 1 : i32
      %add3A_309 = arith.addi %scan3A_87, %add3A_308 : i32
      %lt3A = arith.constant 16 : i32
      %lt3A_310 = arith.cmpi slt, %add3A_309, %lt3A : i32
      %convert_element_type3A = arith.extui %lt3A_310 : i1 to i32
      %cond3A = arith.constant 0 : i32
      %cond3A_311 = arith.cmpi ne, %convert_element_type3A, %cond3A : i32
      scf.if %cond3A_311 {
        %dma_start3A_501 = arith.constant 0 : i32
        %dma_start3A_502 = arith.constant 0 : i32
        %dma_start3A_503 = tpu.memref_slice %arg5[%min3A_307, %dma_start3A_502] : memref<128x50xi32, #tpu.memory_space<vmem>> -> memref<1x50xi32, #tpu.memory_space<vmem>>
        %dma_start3A_504 = tpu.memref_squeeze %dma_start3A_503 : memref<1x50xi32, #tpu.memory_space<vmem>> -> memref<50xi32, #tpu.memory_space<vmem>>
        %dma_start3A_505 = arith.constant 0 : i32
        %dma_start3A_506 = arith.constant 0 : i32
        %dma_start3A_507 = tpu.memref_slice %arg2[%dma_start3A_505, %dma_start3A_506] : memref<100000x128xf32, #tpu.memory_space<hbm>> -> memref<100000x128xf32, #tpu.memory_space<hbm>>
        %dma_start3A_508 = tpu.memref_slice %arg14[%dma_start3A_501] : memref<8x!tpu.dma_semaphore, #tpu.memory_space<semaphore_mem>> -> memref<1x!tpu.dma_semaphore, #tpu.memory_space<semaphore_mem>>
        %dma_start3A_509 = tpu.memref_squeeze %dma_start3A_508 : memref<1x!tpu.dma_semaphore, #tpu.memory_space<semaphore_mem>> -> memref<!tpu.dma_semaphore, #tpu.memory_space<semaphore_mem>>
        tpu.enqueue_indirect_dma source(%dma_start3A_507 : memref<100000x128xf32, #tpu.memory_space<hbm>>) target(%arg6 : memref<50x128xf32, #tpu.memory_space<vmem>>) offsets(%dma_start3A_504 : memref<50xi32, #tpu.memory_space<vmem>>) semaphore(%dma_start3A_509 : memref<!tpu.dma_semaphore, #tpu.memory_space<semaphore_mem>>)
      } else {
      }
      %add3A_312 = arith.addi %mul3A_2, %mul3A_89 : i32
      %add3A_313 = arith.constant 1 : i32
      %add3A_314 = arith.addi %add3A_312, %add3A_313 : i32
      %dma_wait3A_315 = arith.constant 1 : i32
      %dma_wait3A_316 = arith.constant 0 : i32
      %dma_wait3A_317 = arith.constant 0 : i32
      %dma_wait3A_318 = tpu.memref_slice %arg4[%add3A_314, %dma_wait3A_316, %dma_wait3A_317] : memref<4096x50x128xf32, #tpu.memory_space<hbm>> -> memref<1x50x128xf32, #tpu.memory_space<hbm>>
      %dma_wait3A_319 = tpu.memref_squeeze %dma_wait3A_318 : memref<1x50x128xf32, #tpu.memory_space<hbm>> -> memref<50x128xf32, #tpu.memory_space<hbm>>
      %dma_wait3A_320 = tpu.memref_slice %arg15[%dma_wait3A_315] : memref<8x!tpu.dma_semaphore, #tpu.memory_space<semaphore_mem>> -> memref<1x!tpu.dma_semaphore, #tpu.memory_space<semaphore_mem>>
      %dma_wait3A_321 = tpu.memref_squeeze %dma_wait3A_320 : memref<1x!tpu.dma_semaphore, #tpu.memory_space<semaphore_mem>> -> memref<!tpu.dma_semaphore, #tpu.memory_space<semaphore_mem>>
      %dma_wait3A_322 = arith.constant 0 : i32
      %dma_wait3A_323 = arith.constant 0 : i32
      %dma_wait3A_324 = tpu.memref_slice %arg4[%add3A_314, %dma_wait3A_322, %dma_wait3A_323] : memref<4096x50x128xf32, #tpu.memory_space<hbm>> -> memref<1x50x128xf32, #tpu.memory_space<hbm>>
      %dma_wait3A_325 = tpu.memref_squeeze %dma_wait3A_324 : memref<1x50x128xf32, #tpu.memory_space<hbm>> -> memref<50x128xf32, #tpu.memory_space<hbm>>
      tpu.wait_dma2 semaphore(%dma_wait3A_321 : memref<!tpu.dma_semaphore, #tpu.memory_space<semaphore_mem>>) src(%arg7 : memref<50x128xf32, #tpu.memory_space<vmem>>) dst(%dma_wait3A_325 : memref<50x128xf32, #tpu.memory_space<hbm>>)
      %add3A_326 = arith.constant 8 : i32
      %add3A_327 = arith.addi %mul3A_89, %add3A_326 : i32
      %add3A_328 = arith.constant 1 : i32
      %add3A_329 = arith.addi %add3A_327, %add3A_328 : i32
      %min3A_330 = arith.constant 127 : i32
      %min3A_331 = arith.minsi %add3A_329, %min3A_330 : i32
      %add3A_332 = arith.constant 1 : i32
      %add3A_333 = arith.addi %scan3A_87, %add3A_332 : i32
      %lt3A_334 = arith.constant 16 : i32
      %lt3A_335 = arith.cmpi slt, %add3A_333, %lt3A_334 : i32
      %convert_element_type3A_336 = arith.extui %lt3A_335 : i1 to i32
      %cond3A_337 = arith.constant 0 : i32
      %cond3A_338 = arith.cmpi ne, %convert_element_type3A_336, %cond3A_337 : i32
      scf.if %cond3A_338 {
        %dma_start3A_501 = arith.constant 1 : i32
        %dma_start3A_502 = arith.constant 0 : i32
        %dma_start3A_503 = tpu.memref_slice %arg5[%min3A_331, %dma_start3A_502] : memref<128x50xi32, #tpu.memory_space<vmem>> -> memref<1x50xi32, #tpu.memory_space<vmem>>
        %dma_start3A_504 = tpu.memref_squeeze %dma_start3A_503 : memref<1x50xi32, #tpu.memory_space<vmem>> -> memref<50xi32, #tpu.memory_space<vmem>>
        %dma_start3A_505 = arith.constant 0 : i32
        %dma_start3A_506 = arith.constant 0 : i32
        %dma_start3A_507 = tpu.memref_slice %arg2[%dma_start3A_505, %dma_start3A_506] : memref<100000x128xf32, #tpu.memory_space<hbm>> -> memref<100000x128xf32, #tpu.memory_space<hbm>>
        %dma_start3A_508 = tpu.memref_slice %arg14[%dma_start3A_501] : memref<8x!tpu.dma_semaphore, #tpu.memory_space<semaphore_mem>> -> memref<1x!tpu.dma_semaphore, #tpu.memory_space<semaphore_mem>>
        %dma_start3A_509 = tpu.memref_squeeze %dma_start3A_508 : memref<1x!tpu.dma_semaphore, #tpu.memory_space<semaphore_mem>> -> memref<!tpu.dma_semaphore, #tpu.memory_space<semaphore_mem>>
        tpu.enqueue_indirect_dma source(%dma_start3A_507 : memref<100000x128xf32, #tpu.memory_space<hbm>>) target(%arg7 : memref<50x128xf32, #tpu.memory_space<vmem>>) offsets(%dma_start3A_504 : memref<50xi32, #tpu.memory_space<vmem>>) semaphore(%dma_start3A_509 : memref<!tpu.dma_semaphore, #tpu.memory_space<semaphore_mem>>)
      } else {
      }
      %add3A_339 = arith.addi %mul3A_2, %mul3A_89 : i32
      %add3A_340 = arith.constant 2 : i32
      %add3A_341 = arith.addi %add3A_339, %add3A_340 : i32
      %dma_wait3A_342 = arith.constant 2 : i32
      %dma_wait3A_343 = arith.constant 0 : i32
      %dma_wait3A_344 = arith.constant 0 : i32
      %dma_wait3A_345 = tpu.memref_slice %arg4[%add3A_341, %dma_wait3A_343, %dma_wait3A_344] : memref<4096x50x128xf32, #tpu.memory_space<hbm>> -> memref<1x50x128xf32, #tpu.memory_space<hbm>>
      %dma_wait3A_346 = tpu.memref_squeeze %dma_wait3A_345 : memref<1x50x128xf32, #tpu.memory_space<hbm>> -> memref<50x128xf32, #tpu.memory_space<hbm>>
      %dma_wait3A_347 = tpu.memref_slice %arg15[%dma_wait3A_342] : memref<8x!tpu.dma_semaphore, #tpu.memory_space<semaphore_mem>> -> memref<1x!tpu.dma_semaphore, #tpu.memory_space<semaphore_mem>>
      %dma_wait3A_348 = tpu.memref_squeeze %dma_wait3A_347 : memref<1x!tpu.dma_semaphore, #tpu.memory_space<semaphore_mem>> -> memref<!tpu.dma_semaphore, #tpu.memory_space<semaphore_mem>>
      %dma_wait3A_349 = arith.constant 0 : i32
      %dma_wait3A_350 = arith.constant 0 : i32
      %dma_wait3A_351 = tpu.memref_slice %arg4[%add3A_341, %dma_wait3A_349, %dma_wait3A_350] : memref<4096x50x128xf32, #tpu.memory_space<hbm>> -> memref<1x50x128xf32, #tpu.memory_space<hbm>>
      %dma_wait3A_352 = tpu.memref_squeeze %dma_wait3A_351 : memref<1x50x128xf32, #tpu.memory_space<hbm>> -> memref<50x128xf32, #tpu.memory_space<hbm>>
      tpu.wait_dma2 semaphore(%dma_wait3A_348 : memref<!tpu.dma_semaphore, #tpu.memory_space<semaphore_mem>>) src(%arg8 : memref<50x128xf32, #tpu.memory_space<vmem>>) dst(%dma_wait3A_352 : memref<50x128xf32, #tpu.memory_space<hbm>>)
      %add3A_353 = arith.constant 8 : i32
      %add3A_354 = arith.addi %mul3A_89, %add3A_353 : i32
      %add3A_355 = arith.constant 2 : i32
      %add3A_356 = arith.addi %add3A_354, %add3A_355 : i32
      %min3A_357 = arith.constant 127 : i32
      %min3A_358 = arith.minsi %add3A_356, %min3A_357 : i32
      %add3A_359 = arith.constant 1 : i32
      %add3A_360 = arith.addi %scan3A_87, %add3A_359 : i32
      %lt3A_361 = arith.constant 16 : i32
      %lt3A_362 = arith.cmpi slt, %add3A_360, %lt3A_361 : i32
      %convert_element_type3A_363 = arith.extui %lt3A_362 : i1 to i32
      %cond3A_364 = arith.constant 0 : i32
      %cond3A_365 = arith.cmpi ne, %convert_element_type3A_363, %cond3A_364 : i32
      scf.if %cond3A_365 {
        %dma_start3A_501 = arith.constant 2 : i32
        %dma_start3A_502 = arith.constant 0 : i32
        %dma_start3A_503 = tpu.memref_slice %arg5[%min3A_358, %dma_start3A_502] : memref<128x50xi32, #tpu.memory_space<vmem>> -> memref<1x50xi32, #tpu.memory_space<vmem>>
        %dma_start3A_504 = tpu.memref_squeeze %dma_start3A_503 : memref<1x50xi32, #tpu.memory_space<vmem>> -> memref<50xi32, #tpu.memory_space<vmem>>
        %dma_start3A_505 = arith.constant 0 : i32
        %dma_start3A_506 = arith.constant 0 : i32
        %dma_start3A_507 = tpu.memref_slice %arg2[%dma_start3A_505, %dma_start3A_506] : memref<100000x128xf32, #tpu.memory_space<hbm>> -> memref<100000x128xf32, #tpu.memory_space<hbm>>
        %dma_start3A_508 = tpu.memref_slice %arg14[%dma_start3A_501] : memref<8x!tpu.dma_semaphore, #tpu.memory_space<semaphore_mem>> -> memref<1x!tpu.dma_semaphore, #tpu.memory_space<semaphore_mem>>
        %dma_start3A_509 = tpu.memref_squeeze %dma_start3A_508 : memref<1x!tpu.dma_semaphore, #tpu.memory_space<semaphore_mem>> -> memref<!tpu.dma_semaphore, #tpu.memory_space<semaphore_mem>>
        tpu.enqueue_indirect_dma source(%dma_start3A_507 : memref<100000x128xf32, #tpu.memory_space<hbm>>) target(%arg8 : memref<50x128xf32, #tpu.memory_space<vmem>>) offsets(%dma_start3A_504 : memref<50xi32, #tpu.memory_space<vmem>>) semaphore(%dma_start3A_509 : memref<!tpu.dma_semaphore, #tpu.memory_space<semaphore_mem>>)
      } else {
      }
      %add3A_366 = arith.addi %mul3A_2, %mul3A_89 : i32
      %add3A_367 = arith.constant 3 : i32
      %add3A_368 = arith.addi %add3A_366, %add3A_367 : i32
      %dma_wait3A_369 = arith.constant 3 : i32
      %dma_wait3A_370 = arith.constant 0 : i32
      %dma_wait3A_371 = arith.constant 0 : i32
      %dma_wait3A_372 = tpu.memref_slice %arg4[%add3A_368, %dma_wait3A_370, %dma_wait3A_371] : memref<4096x50x128xf32, #tpu.memory_space<hbm>> -> memref<1x50x128xf32, #tpu.memory_space<hbm>>
      %dma_wait3A_373 = tpu.memref_squeeze %dma_wait3A_372 : memref<1x50x128xf32, #tpu.memory_space<hbm>> -> memref<50x128xf32, #tpu.memory_space<hbm>>
      %dma_wait3A_374 = tpu.memref_slice %arg15[%dma_wait3A_369] : memref<8x!tpu.dma_semaphore, #tpu.memory_space<semaphore_mem>> -> memref<1x!tpu.dma_semaphore, #tpu.memory_space<semaphore_mem>>
      %dma_wait3A_375 = tpu.memref_squeeze %dma_wait3A_374 : memref<1x!tpu.dma_semaphore, #tpu.memory_space<semaphore_mem>> -> memref<!tpu.dma_semaphore, #tpu.memory_space<semaphore_mem>>
      %dma_wait3A_376 = arith.constant 0 : i32
      %dma_wait3A_377 = arith.constant 0 : i32
      %dma_wait3A_378 = tpu.memref_slice %arg4[%add3A_368, %dma_wait3A_376, %dma_wait3A_377] : memref<4096x50x128xf32, #tpu.memory_space<hbm>> -> memref<1x50x128xf32, #tpu.memory_space<hbm>>
      %dma_wait3A_379 = tpu.memref_squeeze %dma_wait3A_378 : memref<1x50x128xf32, #tpu.memory_space<hbm>> -> memref<50x128xf32, #tpu.memory_space<hbm>>
      tpu.wait_dma2 semaphore(%dma_wait3A_375 : memref<!tpu.dma_semaphore, #tpu.memory_space<semaphore_mem>>) src(%arg9 : memref<50x128xf32, #tpu.memory_space<vmem>>) dst(%dma_wait3A_379 : memref<50x128xf32, #tpu.memory_space<hbm>>)
      %add3A_380 = arith.constant 8 : i32
      %add3A_381 = arith.addi %mul3A_89, %add3A_380 : i32
      %add3A_382 = arith.constant 3 : i32
      %add3A_383 = arith.addi %add3A_381, %add3A_382 : i32
      %min3A_384 = arith.constant 127 : i32
      %min3A_385 = arith.minsi %add3A_383, %min3A_384 : i32
      %add3A_386 = arith.constant 1 : i32
      %add3A_387 = arith.addi %scan3A_87, %add3A_386 : i32
      %lt3A_388 = arith.constant 16 : i32
      %lt3A_389 = arith.cmpi slt, %add3A_387, %lt3A_388 : i32
      %convert_element_type3A_390 = arith.extui %lt3A_389 : i1 to i32
      %cond3A_391 = arith.constant 0 : i32
      %cond3A_392 = arith.cmpi ne, %convert_element_type3A_390, %cond3A_391 : i32
      scf.if %cond3A_392 {
        %dma_start3A_501 = arith.constant 3 : i32
        %dma_start3A_502 = arith.constant 0 : i32
        %dma_start3A_503 = tpu.memref_slice %arg5[%min3A_385, %dma_start3A_502] : memref<128x50xi32, #tpu.memory_space<vmem>> -> memref<1x50xi32, #tpu.memory_space<vmem>>
        %dma_start3A_504 = tpu.memref_squeeze %dma_start3A_503 : memref<1x50xi32, #tpu.memory_space<vmem>> -> memref<50xi32, #tpu.memory_space<vmem>>
        %dma_start3A_505 = arith.constant 0 : i32
        %dma_start3A_506 = arith.constant 0 : i32
        %dma_start3A_507 = tpu.memref_slice %arg2[%dma_start3A_505, %dma_start3A_506] : memref<100000x128xf32, #tpu.memory_space<hbm>> -> memref<100000x128xf32, #tpu.memory_space<hbm>>
        %dma_start3A_508 = tpu.memref_slice %arg14[%dma_start3A_501] : memref<8x!tpu.dma_semaphore, #tpu.memory_space<semaphore_mem>> -> memref<1x!tpu.dma_semaphore, #tpu.memory_space<semaphore_mem>>
        %dma_start3A_509 = tpu.memref_squeeze %dma_start3A_508 : memref<1x!tpu.dma_semaphore, #tpu.memory_space<semaphore_mem>> -> memref<!tpu.dma_semaphore, #tpu.memory_space<semaphore_mem>>
        tpu.enqueue_indirect_dma source(%dma_start3A_507 : memref<100000x128xf32, #tpu.memory_space<hbm>>) target(%arg9 : memref<50x128xf32, #tpu.memory_space<vmem>>) offsets(%dma_start3A_504 : memref<50xi32, #tpu.memory_space<vmem>>) semaphore(%dma_start3A_509 : memref<!tpu.dma_semaphore, #tpu.memory_space<semaphore_mem>>)
      } else {
      }
      %add3A_393 = arith.addi %mul3A_2, %mul3A_89 : i32
      %add3A_394 = arith.constant 4 : i32
      %add3A_395 = arith.addi %add3A_393, %add3A_394 : i32
      %dma_wait3A_396 = arith.constant 4 : i32
      %dma_wait3A_397 = arith.constant 0 : i32
      %dma_wait3A_398 = arith.constant 0 : i32
      %dma_wait3A_399 = tpu.memref_slice %arg4[%add3A_395, %dma_wait3A_397, %dma_wait3A_398] : memref<4096x50x128xf32, #tpu.memory_space<hbm>> -> memref<1x50x128xf32, #tpu.memory_space<hbm>>
      %dma_wait3A_400 = tpu.memref_squeeze %dma_wait3A_399 : memref<1x50x128xf32, #tpu.memory_space<hbm>> -> memref<50x128xf32, #tpu.memory_space<hbm>>
      %dma_wait3A_401 = tpu.memref_slice %arg15[%dma_wait3A_396] : memref<8x!tpu.dma_semaphore, #tpu.memory_space<semaphore_mem>> -> memref<1x!tpu.dma_semaphore, #tpu.memory_space<semaphore_mem>>
      %dma_wait3A_402 = tpu.memref_squeeze %dma_wait3A_401 : memref<1x!tpu.dma_semaphore, #tpu.memory_space<semaphore_mem>> -> memref<!tpu.dma_semaphore, #tpu.memory_space<semaphore_mem>>
      %dma_wait3A_403 = arith.constant 0 : i32
      %dma_wait3A_404 = arith.constant 0 : i32
      %dma_wait3A_405 = tpu.memref_slice %arg4[%add3A_395, %dma_wait3A_403, %dma_wait3A_404] : memref<4096x50x128xf32, #tpu.memory_space<hbm>> -> memref<1x50x128xf32, #tpu.memory_space<hbm>>
      %dma_wait3A_406 = tpu.memref_squeeze %dma_wait3A_405 : memref<1x50x128xf32, #tpu.memory_space<hbm>> -> memref<50x128xf32, #tpu.memory_space<hbm>>
      tpu.wait_dma2 semaphore(%dma_wait3A_402 : memref<!tpu.dma_semaphore, #tpu.memory_space<semaphore_mem>>) src(%arg10 : memref<50x128xf32, #tpu.memory_space<vmem>>) dst(%dma_wait3A_406 : memref<50x128xf32, #tpu.memory_space<hbm>>)
      %add3A_407 = arith.constant 8 : i32
      %add3A_408 = arith.addi %mul3A_89, %add3A_407 : i32
      %add3A_409 = arith.constant 4 : i32
      %add3A_410 = arith.addi %add3A_408, %add3A_409 : i32
      %min3A_411 = arith.constant 127 : i32
      %min3A_412 = arith.minsi %add3A_410, %min3A_411 : i32
      %add3A_413 = arith.constant 1 : i32
      %add3A_414 = arith.addi %scan3A_87, %add3A_413 : i32
      %lt3A_415 = arith.constant 16 : i32
      %lt3A_416 = arith.cmpi slt, %add3A_414, %lt3A_415 : i32
      %convert_element_type3A_417 = arith.extui %lt3A_416 : i1 to i32
      %cond3A_418 = arith.constant 0 : i32
      %cond3A_419 = arith.cmpi ne, %convert_element_type3A_417, %cond3A_418 : i32
      scf.if %cond3A_419 {
        %dma_start3A_501 = arith.constant 4 : i32
        %dma_start3A_502 = arith.constant 0 : i32
        %dma_start3A_503 = tpu.memref_slice %arg5[%min3A_412, %dma_start3A_502] : memref<128x50xi32, #tpu.memory_space<vmem>> -> memref<1x50xi32, #tpu.memory_space<vmem>>
        %dma_start3A_504 = tpu.memref_squeeze %dma_start3A_503 : memref<1x50xi32, #tpu.memory_space<vmem>> -> memref<50xi32, #tpu.memory_space<vmem>>
        %dma_start3A_505 = arith.constant 0 : i32
        %dma_start3A_506 = arith.constant 0 : i32
        %dma_start3A_507 = tpu.memref_slice %arg2[%dma_start3A_505, %dma_start3A_506] : memref<100000x128xf32, #tpu.memory_space<hbm>> -> memref<100000x128xf32, #tpu.memory_space<hbm>>
        %dma_start3A_508 = tpu.memref_slice %arg14[%dma_start3A_501] : memref<8x!tpu.dma_semaphore, #tpu.memory_space<semaphore_mem>> -> memref<1x!tpu.dma_semaphore, #tpu.memory_space<semaphore_mem>>
        %dma_start3A_509 = tpu.memref_squeeze %dma_start3A_508 : memref<1x!tpu.dma_semaphore, #tpu.memory_space<semaphore_mem>> -> memref<!tpu.dma_semaphore, #tpu.memory_space<semaphore_mem>>
        tpu.enqueue_indirect_dma source(%dma_start3A_507 : memref<100000x128xf32, #tpu.memory_space<hbm>>) target(%arg10 : memref<50x128xf32, #tpu.memory_space<vmem>>) offsets(%dma_start3A_504 : memref<50xi32, #tpu.memory_space<vmem>>) semaphore(%dma_start3A_509 : memref<!tpu.dma_semaphore, #tpu.memory_space<semaphore_mem>>)
      } else {
      }
      %add3A_420 = arith.addi %mul3A_2, %mul3A_89 : i32
      %add3A_421 = arith.constant 5 : i32
      %add3A_422 = arith.addi %add3A_420, %add3A_421 : i32
      %dma_wait3A_423 = arith.constant 5 : i32
      %dma_wait3A_424 = arith.constant 0 : i32
      %dma_wait3A_425 = arith.constant 0 : i32
      %dma_wait3A_426 = tpu.memref_slice %arg4[%add3A_422, %dma_wait3A_424, %dma_wait3A_425] : memref<4096x50x128xf32, #tpu.memory_space<hbm>> -> memref<1x50x128xf32, #tpu.memory_space<hbm>>
      %dma_wait3A_427 = tpu.memref_squeeze %dma_wait3A_426 : memref<1x50x128xf32, #tpu.memory_space<hbm>> -> memref<50x128xf32, #tpu.memory_space<hbm>>
      %dma_wait3A_428 = tpu.memref_slice %arg15[%dma_wait3A_423] : memref<8x!tpu.dma_semaphore, #tpu.memory_space<semaphore_mem>> -> memref<1x!tpu.dma_semaphore, #tpu.memory_space<semaphore_mem>>
      %dma_wait3A_429 = tpu.memref_squeeze %dma_wait3A_428 : memref<1x!tpu.dma_semaphore, #tpu.memory_space<semaphore_mem>> -> memref<!tpu.dma_semaphore, #tpu.memory_space<semaphore_mem>>
      %dma_wait3A_430 = arith.constant 0 : i32
      %dma_wait3A_431 = arith.constant 0 : i32
      %dma_wait3A_432 = tpu.memref_slice %arg4[%add3A_422, %dma_wait3A_430, %dma_wait3A_431] : memref<4096x50x128xf32, #tpu.memory_space<hbm>> -> memref<1x50x128xf32, #tpu.memory_space<hbm>>
      %dma_wait3A_433 = tpu.memref_squeeze %dma_wait3A_432 : memref<1x50x128xf32, #tpu.memory_space<hbm>> -> memref<50x128xf32, #tpu.memory_space<hbm>>
      tpu.wait_dma2 semaphore(%dma_wait3A_429 : memref<!tpu.dma_semaphore, #tpu.memory_space<semaphore_mem>>) src(%arg11 : memref<50x128xf32, #tpu.memory_space<vmem>>) dst(%dma_wait3A_433 : memref<50x128xf32, #tpu.memory_space<hbm>>)
      %add3A_434 = arith.constant 8 : i32
      %add3A_435 = arith.addi %mul3A_89, %add3A_434 : i32
      %add3A_436 = arith.constant 5 : i32
      %add3A_437 = arith.addi %add3A_435, %add3A_436 : i32
      %min3A_438 = arith.constant 127 : i32
      %min3A_439 = arith.minsi %add3A_437, %min3A_438 : i32
      %add3A_440 = arith.constant 1 : i32
      %add3A_441 = arith.addi %scan3A_87, %add3A_440 : i32
      %lt3A_442 = arith.constant 16 : i32
      %lt3A_443 = arith.cmpi slt, %add3A_441, %lt3A_442 : i32
      %convert_element_type3A_444 = arith.extui %lt3A_443 : i1 to i32
      %cond3A_445 = arith.constant 0 : i32
      %cond3A_446 = arith.cmpi ne, %convert_element_type3A_444, %cond3A_445 : i32
      scf.if %cond3A_446 {
        %dma_start3A_501 = arith.constant 5 : i32
        %dma_start3A_502 = arith.constant 0 : i32
        %dma_start3A_503 = tpu.memref_slice %arg5[%min3A_439, %dma_start3A_502] : memref<128x50xi32, #tpu.memory_space<vmem>> -> memref<1x50xi32, #tpu.memory_space<vmem>>
        %dma_start3A_504 = tpu.memref_squeeze %dma_start3A_503 : memref<1x50xi32, #tpu.memory_space<vmem>> -> memref<50xi32, #tpu.memory_space<vmem>>
        %dma_start3A_505 = arith.constant 0 : i32
        %dma_start3A_506 = arith.constant 0 : i32
        %dma_start3A_507 = tpu.memref_slice %arg2[%dma_start3A_505, %dma_start3A_506] : memref<100000x128xf32, #tpu.memory_space<hbm>> -> memref<100000x128xf32, #tpu.memory_space<hbm>>
        %dma_start3A_508 = tpu.memref_slice %arg14[%dma_start3A_501] : memref<8x!tpu.dma_semaphore, #tpu.memory_space<semaphore_mem>> -> memref<1x!tpu.dma_semaphore, #tpu.memory_space<semaphore_mem>>
        %dma_start3A_509 = tpu.memref_squeeze %dma_start3A_508 : memref<1x!tpu.dma_semaphore, #tpu.memory_space<semaphore_mem>> -> memref<!tpu.dma_semaphore, #tpu.memory_space<semaphore_mem>>
        tpu.enqueue_indirect_dma source(%dma_start3A_507 : memref<100000x128xf32, #tpu.memory_space<hbm>>) target(%arg11 : memref<50x128xf32, #tpu.memory_space<vmem>>) offsets(%dma_start3A_504 : memref<50xi32, #tpu.memory_space<vmem>>) semaphore(%dma_start3A_509 : memref<!tpu.dma_semaphore, #tpu.memory_space<semaphore_mem>>)
      } else {
      }
      %add3A_447 = arith.addi %mul3A_2, %mul3A_89 : i32
      %add3A_448 = arith.constant 6 : i32
      %add3A_449 = arith.addi %add3A_447, %add3A_448 : i32
      %dma_wait3A_450 = arith.constant 6 : i32
      %dma_wait3A_451 = arith.constant 0 : i32
      %dma_wait3A_452 = arith.constant 0 : i32
      %dma_wait3A_453 = tpu.memref_slice %arg4[%add3A_449, %dma_wait3A_451, %dma_wait3A_452] : memref<4096x50x128xf32, #tpu.memory_space<hbm>> -> memref<1x50x128xf32, #tpu.memory_space<hbm>>
      %dma_wait3A_454 = tpu.memref_squeeze %dma_wait3A_453 : memref<1x50x128xf32, #tpu.memory_space<hbm>> -> memref<50x128xf32, #tpu.memory_space<hbm>>
      %dma_wait3A_455 = tpu.memref_slice %arg15[%dma_wait3A_450] : memref<8x!tpu.dma_semaphore, #tpu.memory_space<semaphore_mem>> -> memref<1x!tpu.dma_semaphore, #tpu.memory_space<semaphore_mem>>
      %dma_wait3A_456 = tpu.memref_squeeze %dma_wait3A_455 : memref<1x!tpu.dma_semaphore, #tpu.memory_space<semaphore_mem>> -> memref<!tpu.dma_semaphore, #tpu.memory_space<semaphore_mem>>
      %dma_wait3A_457 = arith.constant 0 : i32
      %dma_wait3A_458 = arith.constant 0 : i32
      %dma_wait3A_459 = tpu.memref_slice %arg4[%add3A_449, %dma_wait3A_457, %dma_wait3A_458] : memref<4096x50x128xf32, #tpu.memory_space<hbm>> -> memref<1x50x128xf32, #tpu.memory_space<hbm>>
      %dma_wait3A_460 = tpu.memref_squeeze %dma_wait3A_459 : memref<1x50x128xf32, #tpu.memory_space<hbm>> -> memref<50x128xf32, #tpu.memory_space<hbm>>
      tpu.wait_dma2 semaphore(%dma_wait3A_456 : memref<!tpu.dma_semaphore, #tpu.memory_space<semaphore_mem>>) src(%arg12 : memref<50x128xf32, #tpu.memory_space<vmem>>) dst(%dma_wait3A_460 : memref<50x128xf32, #tpu.memory_space<hbm>>)
      %add3A_461 = arith.constant 8 : i32
      %add3A_462 = arith.addi %mul3A_89, %add3A_461 : i32
      %add3A_463 = arith.constant 6 : i32
      %add3A_464 = arith.addi %add3A_462, %add3A_463 : i32
      %min3A_465 = arith.constant 127 : i32
      %min3A_466 = arith.minsi %add3A_464, %min3A_465 : i32
      %add3A_467 = arith.constant 1 : i32
      %add3A_468 = arith.addi %scan3A_87, %add3A_467 : i32
      %lt3A_469 = arith.constant 16 : i32
      %lt3A_470 = arith.cmpi slt, %add3A_468, %lt3A_469 : i32
      %convert_element_type3A_471 = arith.extui %lt3A_470 : i1 to i32
      %cond3A_472 = arith.constant 0 : i32
      %cond3A_473 = arith.cmpi ne, %convert_element_type3A_471, %cond3A_472 : i32
      scf.if %cond3A_473 {
        %dma_start3A_501 = arith.constant 6 : i32
        %dma_start3A_502 = arith.constant 0 : i32
        %dma_start3A_503 = tpu.memref_slice %arg5[%min3A_466, %dma_start3A_502] : memref<128x50xi32, #tpu.memory_space<vmem>> -> memref<1x50xi32, #tpu.memory_space<vmem>>
        %dma_start3A_504 = tpu.memref_squeeze %dma_start3A_503 : memref<1x50xi32, #tpu.memory_space<vmem>> -> memref<50xi32, #tpu.memory_space<vmem>>
        %dma_start3A_505 = arith.constant 0 : i32
        %dma_start3A_506 = arith.constant 0 : i32
        %dma_start3A_507 = tpu.memref_slice %arg2[%dma_start3A_505, %dma_start3A_506] : memref<100000x128xf32, #tpu.memory_space<hbm>> -> memref<100000x128xf32, #tpu.memory_space<hbm>>
        %dma_start3A_508 = tpu.memref_slice %arg14[%dma_start3A_501] : memref<8x!tpu.dma_semaphore, #tpu.memory_space<semaphore_mem>> -> memref<1x!tpu.dma_semaphore, #tpu.memory_space<semaphore_mem>>
        %dma_start3A_509 = tpu.memref_squeeze %dma_start3A_508 : memref<1x!tpu.dma_semaphore, #tpu.memory_space<semaphore_mem>> -> memref<!tpu.dma_semaphore, #tpu.memory_space<semaphore_mem>>
        tpu.enqueue_indirect_dma source(%dma_start3A_507 : memref<100000x128xf32, #tpu.memory_space<hbm>>) target(%arg12 : memref<50x128xf32, #tpu.memory_space<vmem>>) offsets(%dma_start3A_504 : memref<50xi32, #tpu.memory_space<vmem>>) semaphore(%dma_start3A_509 : memref<!tpu.dma_semaphore, #tpu.memory_space<semaphore_mem>>)
      } else {
      }
      %add3A_474 = arith.addi %mul3A_2, %mul3A_89 : i32
      %add3A_475 = arith.constant 7 : i32
      %add3A_476 = arith.addi %add3A_474, %add3A_475 : i32
      %dma_wait3A_477 = arith.constant 7 : i32
      %dma_wait3A_478 = arith.constant 0 : i32
      %dma_wait3A_479 = arith.constant 0 : i32
      %dma_wait3A_480 = tpu.memref_slice %arg4[%add3A_476, %dma_wait3A_478, %dma_wait3A_479] : memref<4096x50x128xf32, #tpu.memory_space<hbm>> -> memref<1x50x128xf32, #tpu.memory_space<hbm>>
      %dma_wait3A_481 = tpu.memref_squeeze %dma_wait3A_480 : memref<1x50x128xf32, #tpu.memory_space<hbm>> -> memref<50x128xf32, #tpu.memory_space<hbm>>
      %dma_wait3A_482 = tpu.memref_slice %arg15[%dma_wait3A_477] : memref<8x!tpu.dma_semaphore, #tpu.memory_space<semaphore_mem>> -> memref<1x!tpu.dma_semaphore, #tpu.memory_space<semaphore_mem>>
      %dma_wait3A_483 = tpu.memref_squeeze %dma_wait3A_482 : memref<1x!tpu.dma_semaphore, #tpu.memory_space<semaphore_mem>> -> memref<!tpu.dma_semaphore, #tpu.memory_space<semaphore_mem>>
      %dma_wait3A_484 = arith.constant 0 : i32
      %dma_wait3A_485 = arith.constant 0 : i32
      %dma_wait3A_486 = tpu.memref_slice %arg4[%add3A_476, %dma_wait3A_484, %dma_wait3A_485] : memref<4096x50x128xf32, #tpu.memory_space<hbm>> -> memref<1x50x128xf32, #tpu.memory_space<hbm>>
      %dma_wait3A_487 = tpu.memref_squeeze %dma_wait3A_486 : memref<1x50x128xf32, #tpu.memory_space<hbm>> -> memref<50x128xf32, #tpu.memory_space<hbm>>
      tpu.wait_dma2 semaphore(%dma_wait3A_483 : memref<!tpu.dma_semaphore, #tpu.memory_space<semaphore_mem>>) src(%arg13 : memref<50x128xf32, #tpu.memory_space<vmem>>) dst(%dma_wait3A_487 : memref<50x128xf32, #tpu.memory_space<hbm>>)
      %add3A_488 = arith.constant 8 : i32
      %add3A_489 = arith.addi %mul3A_89, %add3A_488 : i32
      %add3A_490 = arith.constant 7 : i32
      %add3A_491 = arith.addi %add3A_489, %add3A_490 : i32
      %min3A_492 = arith.constant 127 : i32
      %min3A_493 = arith.minsi %add3A_491, %min3A_492 : i32
      %add3A_494 = arith.constant 1 : i32
      %add3A_495 = arith.addi %scan3A_87, %add3A_494 : i32
      %lt3A_496 = arith.constant 16 : i32
      %lt3A_497 = arith.cmpi slt, %add3A_495, %lt3A_496 : i32
      %convert_element_type3A_498 = arith.extui %lt3A_497 : i1 to i32
      %cond3A_499 = arith.constant 0 : i32
      %cond3A_500 = arith.cmpi ne, %convert_element_type3A_498, %cond3A_499 : i32
      scf.if %cond3A_500 {
        %dma_start3A_501 = arith.constant 7 : i32
        %dma_start3A_502 = arith.constant 0 : i32
        %dma_start3A_503 = tpu.memref_slice %arg5[%min3A_493, %dma_start3A_502] : memref<128x50xi32, #tpu.memory_space<vmem>> -> memref<1x50xi32, #tpu.memory_space<vmem>>
        %dma_start3A_504 = tpu.memref_squeeze %dma_start3A_503 : memref<1x50xi32, #tpu.memory_space<vmem>> -> memref<50xi32, #tpu.memory_space<vmem>>
        %dma_start3A_505 = arith.constant 0 : i32
        %dma_start3A_506 = arith.constant 0 : i32
        %dma_start3A_507 = tpu.memref_slice %arg2[%dma_start3A_505, %dma_start3A_506] : memref<100000x128xf32, #tpu.memory_space<hbm>> -> memref<100000x128xf32, #tpu.memory_space<hbm>>
        %dma_start3A_508 = tpu.memref_slice %arg14[%dma_start3A_501] : memref<8x!tpu.dma_semaphore, #tpu.memory_space<semaphore_mem>> -> memref<1x!tpu.dma_semaphore, #tpu.memory_space<semaphore_mem>>
        %dma_start3A_509 = tpu.memref_squeeze %dma_start3A_508 : memref<1x!tpu.dma_semaphore, #tpu.memory_space<semaphore_mem>> -> memref<!tpu.dma_semaphore, #tpu.memory_space<semaphore_mem>>
        tpu.enqueue_indirect_dma source(%dma_start3A_507 : memref<100000x128xf32, #tpu.memory_space<hbm>>) target(%arg13 : memref<50x128xf32, #tpu.memory_space<vmem>>) offsets(%dma_start3A_504 : memref<50xi32, #tpu.memory_space<vmem>>) semaphore(%dma_start3A_509 : memref<!tpu.dma_semaphore, #tpu.memory_space<semaphore_mem>>)
      } else {
      }
    }
    %scan3A_86 = arith.constant 16 : i32
    return
  }
}

</mosaic_0001>

<sc_bundles>
// kernel: _embed.3.cloned.1.call-start
scs
__scs_entry_jumppad:
0x0: {  	(pc) =	sbr.rel $0x88, $3  }
0x1: {  	(tag) =	ssettag $0x0;
	lr =	simm.s32 $0x1  }
0x2: {  	[smem:$0x3F9F] =	sst lr;
	_ =	strace $0xD0000000  }
0x3: {  	_ = 	snop  }
0x4: {  	_ = 	snop  }
0x5: {  	_ = 	snop  }
0x6: {  	_ = 	snop  }
0x7: {  	_ = 	snop  }
__scs_overlays_trampoline_lowered:
0x8: {  	[smem:$0x3FAE] =	sst s0  }
0x9: {  	[smem:$0x3FAF] =	sst s1  }
0xa: {  	[smem:$0x3FB0] =	sst s2  }
0xb: {  	[smem:$0x3FB1] =	sst s3  }
0xc: {  	[smem:$0x3FB2] =	sst s4  }
0xd: {  	[smem:$0x3FB3] =	sst s5  }
0xe: {  	[smem:$0x3FB4] =	sst s6  }
0xf: {  	[smem:$0x3FB5] =	sst s7  }
0x10: {  	[smem:$0x3FB6] =	sst s8  }
0x11: {  	[smem:$0x3FB7] =	sst s9;
	s0 =	simm.s32 @!p0 $0x0  }
0x12: {  	s1 =	sld [smem:$0x3F9D];
	s0 =	simm.s32 @p0 $0x1  }
0x13: {  	[smem:$0x3FB8] =	sst s0;
	s0 =	simm.s32 @!p1 $0x0  }
0x14: {  	s2 =	sld [smem:$0x3F9C];
	s0 =	simm.s32 @p1 $0x1  }
0x15: {  	[smem:$0x3FB9] =	sst s0;
	s0 =	simm.s32 @!p2 $0x0  }
0x16: {  	s3 =	sld [smem:$0x3FDB];
	s0 =	simm.s32 @p2 $0x1  }
0x17: {  	s4 =	simm.s32 $0x1BF5;
	[smem:$0x3FBB] =	sst s0  }
0x18: {  	s0 =	sld [smem:$0x3F9E];
	_ =	swait.ge [sflag:s4], $0x0  }
0x19: {  	s7 =	sld [smem:$0x3F9F]  }
0x1a: {  	s8 =	sadd.s32 $0xFFFFE003, lr  }
0x1b: {  	s9 =	sadd.s32 $0xFFFFFEF7, lr;
	s5 =	simm.s32 $0xFFFFFFFF;
	p2 =	slt.u32 s8, $0xFFFFF086  }
0x1c: {  	p1 =	slt.u32 s9, $0xF7A;
	s5 =	simm.s32 @!p2 $0x0  }
0x1d: {  	s5 =	simm.s32 @p1 $0x1;
	p0 =	seq.s32 s7, s2  }
0x1e: {  	s7 =	smul.u32 @!p0 $0xF7A, s2;
	p2 =	seq.s32 @!p0 s5, $0x0  }
0x1f: {  	s9 =	smul.u32 $0xF7A, s1;
	s8 =	simm.s32 @!p0 $0x1BF5;
	p2 =	por !p2, p0  }
0x20: {  	[sflag:s8] =	ssyncset.s32 @!p0 $0xFFFFF086;
	s6 =	sadd.s32 @!p0 s3, s7;
	s7 =	simm.s32 @!p0 $0x108  }
0x21: {  	s3 =	sadd.s32 s3, s9;
	s6 =	sadd.s32 @!p0 $0x88, s6;
	s7 =	simm.s32 @p2 $0x1082  }
0x22: {  	[simem:s7], [sflag:s8] =	dma.local @!p0 [hbm:s6], $0xF7A  }
0x23: {  	s9 =	sor.u32 $0xD0000000, s2;
	s6 =	simm.s32 $0x108;
	_ =	swait.ge @!p0 [sflag:s8], $0x0  }
0x24: {  	s3 =	sadd.s32 $0x88, s3;
	s6 =	simm.s32 @!p1 $0x1082;
	[sflag:s4] =	ssyncset.s32 $0xFFFFF086  }
0x25: {  	[simem:s6], [sflag:s4] =	dma.local [hbm:s3], $0xF7A  }
0x26: {  	[smem:$0x3F9F] =	sst s1;
	(tag) =	ssettag s2;
	_ =	strace s9  }
0x27: {  	s1 =	sld [smem:$0x3FAF]  }
0x28: {  	s2 =	sld [smem:$0x3FB0]  }
0x29: {  	s4 =	sld [smem:$0x3FB2]  }
0x2a: {  	p0 =	seq.s32 s5, $0x0;
	s5 =	sld [smem:$0x3FB3]  }
0x2b: {  	s6 =	sld [smem:$0x3FB4]  }
0x2c: {  	s7 =	sld [smem:$0x3FB5]  }
0x2d: {  	s3 =	simm.s32 $0x108;
	s8 =	sld [smem:$0x3FB6]  }
0x2e: {  	s3 =	simm.s32 @!p0 $0x1082;
	s9 =	sld [smem:$0x3FB7]  }
0x2f: {  	lr =	sadd.s32 s0, s3;
	s0 =	sld [smem:$0x3FAE]  }
0x30: {  	s3 =	sld [smem:$0x3FB1]  }
0x31: {  	[smem:$0x3FBA] =	sst s10  }
0x32: {  	s10 =	sld [smem:$0x3FB8];
	_ =	sdelay $0x3  }
0x33: {  	p0 =	seq.s32 s10, $0x1;
	s10 =	sld [smem:$0x3FBA];
	_ =	sdelay $0x3  }
0x34: {  	[smem:$0x3FBA] =	sst s10  }
0x35: {  	s10 =	sld [smem:$0x3FB9];
	_ =	sdelay $0x3  }
0x36: {  	p1 =	seq.s32 s10, $0x1;
	s10 =	sld [smem:$0x3FBA];
	_ =	sdelay $0x3  }
0x37: {  	[smem:$0x3FBA] =	sst s10  }
0x38: {  	s10 =	sld [smem:$0x3FBB]  }
0x39: {  	_ = 	snop;
	(pc) =	sbr.ind lr, $3  }
0x3a: {  	_ = 	snop  }
0x3b: {  	_ = 	snop  }
0x3c: {  	p2 =	seq.s32 s10, $0x1;
	s10 =	sld [smem:$0x3FBA]  }
0x3d: {  	_ =	shalt  }
0x3e: {  	_ =	shalt  }
0x3f: {  	_ =	shalt  }
0x40: {  	_ =	shalt  }
0x41: {  	_ =	shalt  }
0x42: {  	_ =	shalt  }
0x43: {  	_ =	shalt  }
0x44: {  	_ =	shalt  }
0x45: {  	_ =	shalt  }
0x46: {  	_ =	shalt  }
0x47: {  	_ =	shalt  }
0x48: {  	_ =	shalt  }
0x49: {  	_ =	shalt  }
0x4a: {  	_ =	shalt  }
0x4b: {  	_ =	shalt  }
0x4c: {  	_ =	shalt  }
0x4d: {  	_ =	shalt  }
0x4e: {  	_ =	shalt  }
0x4f: {  	_ =	shalt  }
0x50: {  	_ =	shalt  }
0x51: {  	_ =	shalt  }
0x52: {  	_ =	shalt  }
0x53: {  	_ =	shalt  }
0x54: {  	_ =	shalt  }
0x55: {  	_ =	shalt  }
0x56: {  	_ =	shalt  }
0x57: {  	_ =	shalt  }
0x58: {  	_ =	shalt  }
0x59: {  	_ =	shalt  }
0x5a: {  	_ =	shalt  }
0x5b: {  	_ =	shalt  }
0x5c: {  	_ =	shalt  }
0x5d: {  	_ =	shalt  }
0x5e: {  	_ =	shalt  }
0x5f: {  	_ =	shalt  }
0x60: {  	_ =	shalt  }
0x61: {  	_ =	shalt  }
0x62: {  	_ =	shalt  }
0x63: {  	_ =	shalt  }
0x64: {  	_ =	shalt  }
0x65: {  	_ =	shalt  }
0x66: {  	_ =	shalt  }
0x67: {  	_ =	shalt  }
0x68: {  	_ =	shalt  }
0x69: {  	_ =	shalt  }
0x6a: {  	_ =	shalt  }
0x6b: {  	_ =	shalt  }
0x6c: {  	_ =	shalt  }
0x6d: {  	_ =	shalt  }
0x6e: {  	_ =	shalt  }
0x6f: {  	_ =	shalt  }
0x70: {  	_ =	shalt  }
0x71: {  	_ =	shalt  }
0x72: {  	_ =	shalt  }
0x73: {  	_ =	shalt  }
0x74: {  	_ =	shalt  }
0x75: {  	_ =	shalt  }
0x76: {  	_ =	shalt  }
0x77: {  	_ =	shalt  }
0x78: {  	_ =	shalt  }
0x79: {  	_ =	shalt  }
0x7a: {  	_ =	shalt  }
0x7b: {  	_ =	shalt  }
0x7c: {  	_ =	shalt  }
0x7d: {  	_ =	shalt  }
0x7e: {  	_ =	shalt  }
0x7f: {  	_ =	shalt  }
0x80: {  	_ =	shalt  }
0x81: {  	_ =	shalt  }
0x82: {  	_ =	shalt  }
0x83: {  	_ =	shalt  }
0x84: {  	_ =	shalt  }
0x85: {  	_ =	shalt  }
0x86: {  	_ =	shalt  }
0x87: {  	_ =	shalt  }
.Lfunc_end0:
.L_simem_size_0:
called_computation_lowered:
.L_overlay_start_0:
0x88: {  	s2 =	sld [smem:$0x3FD9]  }
0x89: {  	s3 =	sld [smem:$0x3FFE];
	_ =	sdelay $0x1  }
0x8a: {  	s1 =	srdreg.scid  }
0x8b: {  	s0 =	sand.u32 $0x1, s1  }
0x8c: {  	s17 =	sshll.u32 s0, $0xA;
	s2 =	sadd.s32 s3, s2  }
0x8d: {  	s2 =	sadd.s32 s2, s17  }
0x8e: {  	[smem:$0x3FC6] =	sst s2  }
0x8f: {  	_ = 	snop  }
0x90: {  	s2 =	sld [smem:$0x3FC8]  }
0x91: {  	s18 =	sld [smem:$0x3FD0];
	(tm) =	ssettm $0x1  }
0x92: {  	s4 =	sld [smem:$0x3FFB];
	_ =	sdelay $0x3  }
0x93: {  	_ =	strace s4  }
0x94: {  	s4 =	sld [smem:$0x3FFC];
	_ =	sdelay $0x3  }
0x95: {  	_ =	strace s4  }
0x96: {  	s4 =	sld [smem:$0x3FFD];
	_ =	sdelay $0x3  }
0x97: {  	_ =	strace s4  }
0x98: {  	_ =	strace $0x8FFFFFFF  }
0x99: {  	s19 =	sld [smem:$0x3FDB];
	_ =	sdelay $0x1  }
0x9a: {  	s5 =	simm.s32 $_scs_section_size  }
0x9b: {  	s6 =	simm.s32 $_size__tile_overlayer_lowered;
	s7 =	simm.s32 $_tile_overlayer_lowered  }
0x9c: {  	s22 =	simm.s32 $0x1BFF;
	s21 =	sshll.u32 s7, $0x1;
	s4 =	sadd.s32 s5, s19  }
0x9d: {  	s8 =	simm.s32 $0x0;
	s20 =	sshll.u32 s6, $0x1;
	s6 =	sadd.s32 s21, s4  }
0x9e: {  	[timem:s8], [sflag:s22] =	dma.local [hbm:s6], s20  }
0x9f: {  	_ =	swait.ge [sflag:s22], s20  }
0xa0: {  	s5 =	ssub.s32 $0x0, s20;
	[sflag:s22] =	ssyncset.done $0x0  }
0xa1: {  	[sflag:s22] =	ssyncadd.s32 s5;
	_ =	sdelay $0x1  }
0xa2: {  	s23 =	simm.s32 $0x1B8B  }
0xa3: {  	_ =	swait.ge [sflag:s23], $0x1  }
0xa4: {  	[sflag:s23] =	ssyncset.done $0x0  }
0xa5: {  	s25 =	simm.s32 $0x1B8E;
	s24 =	sld [smem:$0x3FFE];
	[sflag:s23] =	ssyncadd.s32 $0xFFFFFFFF  }
0xa6: {  	s26 =	simm.s32 $execute0_lowered;
	[smem:$0x3FD2] =	sst s25  }
0xa7: {  	s6 =	sshll.u32 s26, $0x1;
	_ =	strace $0x80000046;
	[dreg:$0x1] =	wrdreg $0xFFFFFFFF  }
0xa8: {  	s28 =	simm.s32 $_size_execute0_lowered;
	s4 =	sadd.s32 s4, s6;
	[dreg:$0x0] =	wrdreg $0x0  }
0xa9: {  	s6 =	sshll.u32 s28, $0x1;
	[dreg:$0x2] =	wrdreg s4  }
0xaa: {  	[dreg:$0x3] =	wrdreg s6  }
0xab: {  	[dreg:$0x4] =	wrdreg $0xC0  }
0xac: {  	_ =	task [dreg:s8], $0x5FFFF  }
0xad: {  	[dreg:$0x1] =	wrdreg $0xFFFFFFFF  }
0xae: {  	[dreg:$0x0] =	wrdreg $0x60  }
0xaf: {  	[dreg:$0x2] =	wrdreg s2  }
0xb0: {  	[dreg:$0x3] =	wrdreg s18  }
0xb1: {  	[dreg:$0x4] =	wrdreg s24  }
0xb2: {  	[dreg:$0x5] =	wrdreg $0x9  }
0xb3: {  	_ =	task.clear_ibuf [dreg:s8], $0x6FFFF;
	_ =	strace $0x90000046  }
0xb4: {  	s29 =	simm.s32 $0x9;
	_ =	strace $0x80000048  }
0xb5: {  	_ =	swait.ge [sflag:s29], $0x1  }
0xb6: {  	[sflag:s29] =	ssyncadd.s32 $0xFFFFFFFF  }
0xb7: {  	_ =	strace $0x90000048  }
0xb8: {  	_ =	sfence  }
0xb9: {  	s30 =	sld [smem:$0x0];
	_ =	sdelay $0x2  }
0xba: {  	s31 =	sshll.u32 s1, $0xD;
	s1 =	sshrl.u32 s1, $0x2  }
0xbb: {  	s3 =	sand.u32 $0x4000, s31;
	s1 =	sadd.s32 s1, s30  }
0xbc: {  	s0 =	sor.u32 s3, s0;
	s1 =	sshll.u32 s1, $0x11  }
0xbd: {  	s0 =	sor.u32 s1, s0  }
0xbe: {  	s0 =	sadd.s32 $0x8F2B, s0  }
0xbf: {  	[sflag:s0] =	ssyncadd.remote.s32 $0x1  }
0xc0: {  	_ =	sfence.sel $0xFFFF  }
0xc1: {  	[dreg:$0x0] =	wrdreg $0xFFFFFFFF;
	(pc) =	sbr.abs _section_cstart, $3  }
0xc2: {  	[dreg:$0x1] =	wrdreg $0xFFFFFFFF  }
0xc3: {  	_ =	task.clear_ibuf [dreg:s8], $0x2FFFF;
	_ =	strace $0x9FFFFFFF  }
0xc4: {  	(tm) =	ssettm $0x7FFFFFFF  }
0xc5: {  	_ =	shalt  }
tec
execute0_lowered:
.L_overlay_start_1:
0x0: {  	(tag) =	ssettag $0x1  }
0x1: {  	s1 =	rddreg [dreg:$0x0]  }
0x2: {  	s0 =	rddreg [dreg:$0x1]  }
0x3: {  	s2 =	rddreg [dreg:$0x2]  }
0x4: {  	s3 =	simm.s32 $0x0;
	s4 =	srdreg.scid;
	s9 =	stileid.u32  }
0x5: {  	s28 =	simm.s32 $0xE800;
	s30 =	simm.s32 $0x10400;
	s31 =	simm.s32 $0x1  }
0x6: {  	s29 =	simm.s32 $0xA;
	[smem:$0x7FF] =	sst s3;
	s6 =	smul.u32 $0x38000, s9  }
0x7: {  	s4 =	sand.u32 $0x1, s4;
	s2 =	sadd.s32 $0x400, s2;
	s8 =	smul.u32 $0x1C0000, s9  }
0x8: {  	s9 =	sshll.u32 s9, $0xC;
	_ =	strace $0x80000047;
	s11 =	smul.u32 $0xE0000, s4  }
0x9: {  	s5 =	ssub.s32 $0x2, s4;
	s10 =	sshll.u32 s4, $0xB;
	s4 =	smul.u32 $0x1C000, s4  }
0xa: {  	s7 =	sshrl.u32 s5, $0x1;
	s13 =	sor.u32 s10, s9;
	s14 =	sadd.s32 s6, s2  }
0xb: {  	s6 =	simm.s32 $0xE;
	s10 =	simm.s32 $0x0;
	s5 =	ssub.s32 s5, s7  }
0xc: {  	s0 =	sadd.s32 s0, s13;
	s15 =	sadd.s32 s11, s8;
	s13 =	simm.s32 $0xD  }
0xd: {  	s7 =	simm.s32 $0xF;
	s8 =	simm.s32 $0x10;
	[dreg:$0x4] =	wrdreg s0  }
0xe: {  	s5 =	smax.u32 s5, $0x1;
	s0 =	sadd.s32 s4, s14;
	s16 =	sor.u32 $0xC400, s15  }
0xf: {  	s17 =	sor.u32 $0xA800, s15;
	s18 =	sor.u32 $0x8C00, s15;
	s22 =	sor.u32 $0x7000, s15  }
0x10: {  	s23 =	sor.u32 $0x5400, s15;
	s24 =	sor.u32 $0x3800, s15;
	s14 =	simm.s32 $0x32  }
0x11: {  	s15 =	simm.s32 $0x4000;
	s4 =	simm.s32 $0xB;
	[dreg:$0x5] =	wrdreg s5  }
0x12: {  	[dreg:$0x6] =	wrdreg s0;
	s0 =	sshrl.u32 s16, $0x3;
	s19 =	sshrl.u32 s17, $0x3  }
0x13: {  	s20 =	sshrl.u32 s18, $0x3;
	s25 =	sshrl.u32 s23, $0x3;
	s26 =	sshrl.u32 s24, $0x3  }
0x14: {  	s17 =	simm.s32 $0x5C00;
	s23 =	simm.s32 $0xB000;
	s16 =	simm.s32 $0x4  }
0x15: {  	s18 =	simm.s32 $0x5;
	s24 =	simm.s32 $0x8;
	s5 =	simm.s32 $0xC  }
0x16: {  	s0 =	sadd.s32 s0, s2;
	s21 =	sadd.s32 s20, s2;
	s12 =	sadd.s32 s26, s2  }
0x17: {  	s20 =	simm.s32 $0x6;
	s26 =	simm.s32 $0x9;
	[dreg:$0x7] =	wrdreg s0  }
.Ltmp0:
0x18: {  	s0 =	sadd.s32 s19, s2;
	[dreg:$0x9] =	wrdreg s21;
	(pc) =	sbr.rel .LBB2_1-.Ltmp0, $4  }
0x19: {  	s19 =	simm.s32 $0x7800;
	[dreg:$0x8] =	wrdreg s0;
	s0 =	sshrl.u32 s22, $0x3  }
0x1a: {  	s21 =	simm.s32 $0x9400;
	s22 =	simm.s32 $0x7;
	s0 =	sadd.s32 s0, s2  }
0x1b: {  	[dreg:$0xa] =	wrdreg s0;
	s0 =	sadd.s32 s25, s2;
	s25 =	simm.s32 $0xCC00  }
0x1c: {  	s2 =	simm.s32 $0x3;
	[dreg:$0xb] =	wrdreg s0;
	s0 =	simm.s32 $0x2  }
.LBB2_3:
0x1d: {  	_ =	swait.ge [sflag:s29], $0x1900  }
0x1e: {  	[sflag:s29] =	ssyncset.done $0x0  }
0x1f: {  	[sflag:s29] =	ssyncadd.s32 $0xFFFFE700  }
0x20: {  	_ =	swait.ge [sflag:s4], $0x1900  }
0x21: {  	[sflag:s4] =	ssyncset.done $0x0  }
0x22: {  	[sflag:s4] =	ssyncadd.s32 $0xFFFFE700  }
0x23: {  	_ =	swait.ge [sflag:s5], $0x1900  }
0x24: {  	[sflag:s5] =	ssyncset.done $0x0  }
0x25: {  	[sflag:s5] =	ssyncadd.s32 $0xFFFFE700  }
0x26: {  	_ =	swait.ge [sflag:s13], $0x1900  }
0x27: {  	[sflag:s13] =	ssyncset.done $0x0  }
0x28: {  	[sflag:s13] =	ssyncadd.s32 $0xFFFFE700  }
0x29: {  	_ =	swait.ge [sflag:s6], $0x1900  }
0x2a: {  	[sflag:s6] =	ssyncset.done $0x0  }
0x2b: {  	[sflag:s6] =	ssyncadd.s32 $0xFFFFE700  }
0x2c: {  	_ =	swait.ge [sflag:s7], $0x1900  }
0x2d: {  	[sflag:s7] =	ssyncset.done $0x0  }
0x2e: {  	[sflag:s7] =	ssyncadd.s32 $0xFFFFE700  }
0x2f: {  	_ =	swait.ge [sflag:s8], $0x1900  }
0x30: {  	[sflag:s8] =	ssyncset.done $0x0  }
0x31: {  	[sflag:s8] =	ssyncadd.s32 $0xFFFFE700  }
.LBB2_5:
0x32: {  	s10 =	rddreg [dreg:$0xc]  }
0x33: {  	s9 =	rddreg [dreg:$0x5];
	s10 =	sadd.s32 $0x1, s10  }
0x34: {  	p0 =	sne.s32 s10, s9  }
.Ltmp1:
0x35: {  	_ = 	snop;
	(pc) =	sbr.rel @!p0 .LBB2_6-.Ltmp1, $1  }
0x36: {  	_ =	sdelay $0x3  }
.LBB2_1:
0x37: {  	[dreg:$0xc] =	wrdreg s10  }
0x38: {  	s9 =	rddreg [dreg:$0x4];
	s10 =	simm.s32 $0x11  }
0x39: {  	[tilespmem:s3], [sflag:$0x11] =	stream.linear.gather [hbm4b:s9+s3], $0x4000, $0x38;
	[tilespmem:$0x12000] =	vst v63  }
0x3a: {  	_ =	swait.ge [sflag:s10], $0x4000  }
0x3b: {  	[sflag:s10] =	ssyncset.done $0x0  }
0x3c: {  	[sflag:s10] =	ssyncadd.s32 $0xFFFFC000  }
0x3d: {  	[tilespmem:s15], [sflag:$0x1] =	stream.indirect.gather [hbm4b:s1+s14], $0x80, s3, s14, $0xb8;
	[tilespmem:$0x12000] =	vst v63  }
0x3e: {  	s11 =	simm.s32 $0x80  }
0x3f: {  	[tilespmem:s17], [sflag:$0x2] =	stream.indirect.gather [hbm4b:s1+s14], $0x80, s11, s14, $0xb8;
	[tilespmem:$0x12000] =	vst v63  }
0x40: {  	s10 =	simm.s32 $0x100  }
0x41: {  	[tilespmem:s19], [sflag:$0x3] =	stream.indirect.gather [hbm4b:s1+s14], $0x80, s10, s14, $0xb8;
	[tilespmem:$0x12000] =	vst v63  }
0x42: {  	s11 =	simm.s32 $0x180  }
0x43: {  	[tilespmem:s21], [sflag:$0x4] =	stream.indirect.gather [hbm4b:s1+s14], $0x80, s11, s14, $0xb8;
	[tilespmem:$0x12000] =	vst v63  }
0x44: {  	s10 =	simm.s32 $0x200  }
0x45: {  	[tilespmem:s23], [sflag:$0x5] =	stream.indirect.gather [hbm4b:s1+s14], $0x80, s10, s14, $0xb8;
	[tilespmem:$0x12000] =	vst v63  }
0x46: {  	s11 =	simm.s32 $0x280  }
0x47: {  	[tilespmem:s25], [sflag:$0x6] =	stream.indirect.gather [hbm4b:s1+s14], $0x80, s11, s14, $0xb8;
	[tilespmem:$0x12000] =	vst v63  }
0x48: {  	s10 =	simm.s32 $0x300  }
0x49: {  	[tilespmem:s28], [sflag:$0x7] =	stream.indirect.gather [hbm4b:s1+s14], $0x80, s10, s14, $0xb8;
	[tilespmem:$0x12000] =	vst v63  }
0x4a: {  	s9 =	simm.s32 $0x0;
	s11 =	simm.s32 $0x380;
	s10 =	simm.s32 $0x0  }
0x4b: {  	[tilespmem:s30], [sflag:$0x8] =	stream.indirect.gather [hbm4b:s1+s14], $0x80, s11, s14, $0xb8;
	[tilespmem:$0x12000] =	vst v63  }
.LBB2_2:
0x4c: {  	_ =	swait.ge [sflag:s31], $0x1900  }
0x4d: {  	[sflag:s31] =	ssyncset.done $0x0;
	s11 =	rddreg [dreg:$0x6]  }
0x4e: {  	[sflag:s31] =	ssyncadd.s32 $0xFFFFE700;
	s11 =	sadd.s32 s10, s11  }
0x4f: {  	[hbm4b:s11+s3] =	stream.linear.scatter [tilespmem:s15], [sflag:$0x9], $0x1900, $0x38;
	[tilespmem:$0x12000] =	vst v63  }
0x50: {  	_ =	swait.ge [sflag:s0], $0x1900  }
0x51: {  	[sflag:s0] =	ssyncset.done $0x0  }
0x52: {  	s11 =	sadd.s32 $0x380, s11;
	[sflag:s0] =	ssyncadd.s32 $0xFFFFE700  }
0x53: {  	[hbm4b:s11+s3] =	stream.linear.scatter [tilespmem:s17], [sflag:$0xA], $0x1900, $0x38;
	[tilespmem:$0x12000] =	vst v63  }
0x54: {  	_ =	swait.ge [sflag:s2], $0x1900  }
0x55: {  	[sflag:s2] =	ssyncset.done $0x0  }
0x56: {  	s11 =	sadd.s32 s10, s12;
	[sflag:s2] =	ssyncadd.s32 $0xFFFFE700  }
0x57: {  	[hbm4b:s11+s3] =	stream.linear.scatter [tilespmem:s19], [sflag:$0xB], $0x1900, $0x38;
	[tilespmem:$0x12000] =	vst v63  }
0x58: {  	_ =	swait.ge [sflag:s16], $0x1900  }
0x59: {  	[sflag:s16] =	ssyncset.done $0x0;
	s11 =	rddreg [dreg:$0xb]  }
0x5a: {  	[sflag:s16] =	ssyncadd.s32 $0xFFFFE700;
	s11 =	sadd.s32 s10, s11  }
0x5b: {  	[hbm4b:s11+s3] =	stream.linear.scatter [tilespmem:s21], [sflag:$0xC], $0x1900, $0x38;
	[tilespmem:$0x12000] =	vst v63  }
0x5c: {  	_ =	swait.ge [sflag:s18], $0x1900  }
0x5d: {  	[sflag:s18] =	ssyncset.done $0x0;
	s11 =	rddreg [dreg:$0xa]  }
0x5e: {  	[sflag:s18] =	ssyncadd.s32 $0xFFFFE700;
	s11 =	sadd.s32 s10, s11  }
0x5f: {  	[hbm4b:s11+s3] =	stream.linear.scatter [tilespmem:s23], [sflag:$0xD], $0x1900, $0x38;
	[tilespmem:$0x12000] =	vst v63  }
0x60: {  	_ =	swait.ge [sflag:s20], $0x1900  }
0x61: {  	[sflag:s20] =	ssyncset.done $0x0;
	s11 =	rddreg [dreg:$0x9]  }
0x62: {  	[sflag:s20] =	ssyncadd.s32 $0xFFFFE700;
	s11 =	sadd.s32 s10, s11  }
0x63: {  	[hbm4b:s11+s3] =	stream.linear.scatter [tilespmem:s25], [sflag:$0xE], $0x1900, $0x38;
	[tilespmem:$0x12000] =	vst v63  }
0x64: {  	_ =	swait.ge [sflag:s22], $0x1900  }
0x65: {  	[sflag:s22] =	ssyncset.done $0x0;
	s11 =	rddreg [dreg:$0x8]  }
0x66: {  	[sflag:s22] =	ssyncadd.s32 $0xFFFFE700;
	s11 =	sadd.s32 s10, s11  }
0x67: {  	[hbm4b:s11+s3] =	stream.linear.scatter [tilespmem:s28], [sflag:$0xF], $0x1900, $0x38;
	[tilespmem:$0x12000] =	vst v63  }
0x68: {  	_ =	swait.ge [sflag:s24], $0x1900  }
0x69: {  	p0 =	sne.s32 s10, $0x1A400;
	[sflag:s24] =	ssyncset.done $0x0;
	s11 =	rddreg [dreg:$0x7]  }
.Ltmp2:
0x6a: {  	[sflag:s24] =	ssyncadd.s32 $0xFFFFE700;
	s11 =	sadd.s32 s10, s11;
	(pc) =	sbr.rel @!p0 .LBB2_3-.Ltmp2, $4  }
0x6b: {  	[hbm4b:s11+s3] =	stream.linear.scatter [tilespmem:s30], [sflag:$0x10], $0x1900, $0x38;
	[tilespmem:$0x12000] =	vst v63  }
0x6c: {  	_ =	swait.ge [sflag:s26], $0x1900  }
0x6d: {  	[sflag:s26] =	ssyncset.done $0x0  }
0x6e: {  	[sflag:s26] =	ssyncadd.s32 $0xFFFFE700  }
0x6f: {  	s11 =	smin.u32 s9, $0x77  }
0x70: {  	s11 =	sshll.u32 s11, $0x7  }
0x71: {  	s11 =	sadd.s32 $0x400, s11  }
0x72: {  	[tilespmem:s15], [sflag:$0x1] =	stream.indirect.gather [hbm4b:s1+s14], $0x80, s11, s14, $0xb8;
	[tilespmem:$0x12000] =	vst v63  }
0x73: {  	s11 =	smin.u32 s9, $0x76;
	_ =	swait.ge [sflag:s29], $0x1900  }
0x74: {  	s11 =	sshll.u32 s11, $0x7;
	[sflag:s29] =	ssyncset.done $0x0  }
0x75: {  	s11 =	sadd.s32 $0x480, s11;
	[sflag:s29] =	ssyncadd.s32 $0xFFFFE700  }
0x76: {  	[tilespmem:s17], [sflag:$0x2] =	stream.indirect.gather [hbm4b:s1+s14], $0x80, s11, s14, $0xb8;
	[tilespmem:$0x12000] =	vst v63  }
0x77: {  	s11 =	smin.u32 s9, $0x75;
	_ =	swait.ge [sflag:s4], $0x1900  }
0x78: {  	s11 =	sshll.u32 s11, $0x7;
	[sflag:s4] =	ssyncset.done $0x0  }
0x79: {  	s11 =	sadd.s32 $0x500, s11;
	[sflag:s4] =	ssyncadd.s32 $0xFFFFE700  }
0x7a: {  	[tilespmem:s19], [sflag:$0x3] =	stream.indirect.gather [hbm4b:s1+s14], $0x80, s11, s14, $0xb8;
	[tilespmem:$0x12000] =	vst v63  }
0x7b: {  	s11 =	smin.u32 s9, $0x74;
	_ =	swait.ge [sflag:s5], $0x1900  }
0x7c: {  	s11 =	sshll.u32 s11, $0x7;
	[sflag:s5] =	ssyncset.done $0x0  }
0x7d: {  	s11 =	sadd.s32 $0x580, s11;
	[sflag:s5] =	ssyncadd.s32 $0xFFFFE700  }
0x7e: {  	[tilespmem:s21], [sflag:$0x4] =	stream.indirect.gather [hbm4b:s1+s14], $0x80, s11, s14, $0xb8;
	[tilespmem:$0x12000] =	vst v63  }
0x7f: {  	s11 =	smin.u32 s9, $0x73;
	_ =	swait.ge [sflag:s13], $0x1900  }
0x80: {  	s11 =	sshll.u32 s11, $0x7;
	[sflag:s13] =	ssyncset.done $0x0  }
0x81: {  	s11 =	sadd.s32 $0x600, s11;
	[sflag:s13] =	ssyncadd.s32 $0xFFFFE700  }
0x82: {  	[tilespmem:s23], [sflag:$0x5] =	stream.indirect.gather [hbm4b:s1+s14], $0x80, s11, s14, $0xb8;
	[tilespmem:$0x12000] =	vst v63  }
0x83: {  	s11 =	smin.u32 s9, $0x72;
	_ =	swait.ge [sflag:s6], $0x1900  }
0x84: {  	s11 =	sshll.u32 s11, $0x7;
	[sflag:s6] =	ssyncset.done $0x0  }
0x85: {  	s11 =	sadd.s32 $0x680, s11;
	[sflag:s6] =	ssyncadd.s32 $0xFFFFE700  }
0x86: {  	[tilespmem:s25], [sflag:$0x6] =	stream.indirect.gather [hbm4b:s1+s14], $0x80, s11, s14, $0xb8;
	[tilespmem:$0x12000] =	vst v63  }
0x87: {  	s11 =	smin.u32 s9, $0x71;
	_ =	swait.ge [sflag:s7], $0x1900  }
0x88: {  	s10 =	sadd.s32 $0x1C00, s10;
	s11 =	sshll.u32 s11, $0x7;
	[sflag:s7] =	ssyncset.done $0x0  }
0x89: {  	p0 =	sne.s32 s10, $0x1C000;
	s11 =	sadd.s32 $0x700, s11;
	[sflag:s7] =	ssyncadd.s32 $0xFFFFE700  }
0x8a: {  	[tilespmem:s28], [sflag:$0x7] =	stream.indirect.gather [hbm4b:s1+s14], $0x80, s11, s14, $0xb8;
	[tilespmem:$0x12000] =	vst v63  }
.Ltmp3:
0x8b: {  	_ = 	snop;
	(pc) =	sbr.rel @p0 .LBB2_2-.Ltmp3, $4  }
.Ltmp4:
0x8c: {  	s11 =	smin.u32 s9, $0x70;
	_ =	swait.ge [sflag:s8], $0x1900;
	(pc) =	sbr.rel @!p0 .LBB2_5-.Ltmp4, $4  }
0x8d: {  	s11 =	sshll.u32 s11, $0x7;
	[sflag:s8] =	ssyncset.done $0x0  }
0x8e: {  	s9 =	sadd.s32 $0x8, s9;
	s11 =	sadd.s32 $0x780, s11;
	[sflag:s8] =	ssyncadd.s32 $0xFFFFE700  }
0x8f: {  	[tilespmem:s30], [sflag:$0x8] =	stream.indirect.gather [hbm4b:s1+s14], $0x80, s11, s14, $0xb8;
	[tilespmem:$0x12000] =	vst v63  }
0x90: {  	_ = 	snop  }
.LBB2_6:
0x91: {  	_ =	sfence.sel $0x180000  }
0x92: {  	[bflag:$0x0] =	sbarrier.arrive $0xFFFF  }
0x93: {  	_ =	strace $0x90000047  }
0x94: {  	s0 =	stileid.u32;
	[bflag:$0x2] =	sbarrier.arrive $0xFFFF  }
0x95: {  	p0 =	sne.s32 s0, $0x0;
	s0 =	rddreg [dreg:$0x3]  }
0x96: {  	s0 =	sadd.s32 @!p0 $0x100000, s0  }
0x97: {  	[sflag:s0] =	ssyncadd.tile.s32 @!p0 $0x1;
	_ =	shalt  }
.Lfunc_end2:
_tile_overlayer_lowered:
.L_overlay_start_2:
0x98: {  	(tag) =	ssettag $0x2  }
0x99: {  	s0 =	rddreg [dreg:$0x0];
	s2 =	stileid.u32  }
0x9a: {  	s1 =	rddreg [dreg:$0x1];
	p0 =	sne.s32 s2, $0x0  }
0x9b: {  	s3 =	rddreg [dreg:$0x2];
	[bflag:$0x3] =	sbarrier.arrive $0xFFFF;
	s2 =	simm.s32 @!p0 $0x1C11  }
0x9c: {  	[timem:s3], [sflag:s2] =	dma.local @!p0 [hbm:s0], s1  }
0x9d: {  	s0 =	simm.s32 @!p0 $0x11  }
0x9e: {  	_ =	swait.ge @!p0 [sflag:s0], s1  }
0x9f: {  	s1 =	ssub.s32 @!p0 $0x0, s1;
	[sflag:s0] =	ssyncset.done @!p0 $0x0  }
0xa0: {  	[sflag:s0] =	ssyncadd.s32 @!p0 s1  }
0xa1: {  	[bflag:$0x3] =	sbarrier.arrive $0xFFFF  }
0xa2: {  	_ =	shalt  }

</sc_bundles>
